<compile_context>
chip_gen: v7x
topology: tpu7x:2x2x1
jax: 0.10.2.dev20260603
libtpu: 0.0.44.dev20260713+nightly
codegen_flags: <defaults>
</compile_context>

<pallas_src>
import functools

import jax
import jax.numpy as jnp
from jax import lax
from jax.experimental import pallas as pl
from jax.experimental.pallas import tpu as pltpu
from jax.experimental.pallas import tpu_sc as plsc

B, C_IN, H, W = 1, 2048, 15, 20
FEAT = 512
SCALE = 16
OH, OW = H * SCALE, W * SCALE
HW = OH * OW
NPIX = H * W
NXUP = H * OW
N_VOX = 60 * 36 * 60

NW = 32
CPT = FEAT // NW
VB = 576
NBLK = N_VOX // VB


def _stage1_body(w_ref, f2d_ref, gamma_ref, beta_ref, out_ref):
    x = jnp.dot(w_ref[...], f2d_ref[...], preferred_element_type=jnp.float32)
    mean = jnp.mean(x, axis=1, keepdims=True)
    var = jnp.mean(x * x, axis=1, keepdims=True) - mean * mean
    x = (x - mean) * jax.lax.rsqrt(var + 1e-5)
    x = x * gamma_ref[...] + beta_ref[...]
    tbl = jnp.maximum(x, 0.0)
    oxi = lax.broadcasted_iota(jnp.int32, (W, OW), 1)
    j = lax.broadcasted_iota(jnp.int32, (W, OW), 0)
    fx = oxi.astype(jnp.float32) * (float(W - 1) / (OW - 1))
    x0 = jnp.floor(fx)
    dx = fx - x0
    x0i = x0.astype(jnp.int32)
    x1i = jnp.minimum(x0i + 1, W - 1)
    wx = (jnp.where(j == x0i, 1.0 - dx, 0.0)
          + jnp.where(j == x1i, dx, 0.0))
    for y in range(H):
        out_ref[:, y * OW:(y + 1) * OW] = jnp.dot(
            tbl[:, y * W:(y + 1) * W], wx,
            preferred_element_type=jnp.float32)


def _prep_body(idx_ref, c0_ref, c1_ref, w0_ref, w1_ref):
    v = idx_ref[...]
    valid = v < HW
    vc = jnp.where(valid, v, 0)
    py = vc // OW
    px = vc - py * OW
    fy = py.astype(jnp.float32) * (float(H - 1) / (OH - 1))
    y0 = jnp.floor(fy)
    dy = fy - y0
    y0i = y0.astype(jnp.int32)
    y1i = jnp.minimum(y0i + 1, H - 1)
    vf = jnp.where(valid, 1.0, 0.0)
    c0_ref[...] = y0i * OW + px
    c1_ref[...] = y1i * OW + px
    w0_ref[...] = (1.0 - dy) * vf
    w1_ref[...] = dy * vf


def _sc_gather(tblx_hbm, c0_h, c1_h, w0_h, w1_h, out_hbm,
               tbl_v, ci_v, wf_v, out_v, sem_in, sem_out):
    wid = lax.axis_index("s") * 2 + lax.axis_index("c")
    rows = wid * CPT
    pltpu.sync_copy(tblx_hbm.at[pl.ds(rows, CPT), :], tbl_v)

    def in_copies(b, par):
        vbase = b * VB
        return [
            pltpu.make_async_copy(
                c0_h.at[pl.ds(vbase, VB)], ci_v.at[par, 0], sem_in),
            pltpu.make_async_copy(
                c1_h.at[pl.ds(vbase, VB)], ci_v.at[par, 1], sem_in),
            pltpu.make_async_copy(
                w0_h.at[pl.ds(vbase, VB)], wf_v.at[par, 0], sem_in),
            pltpu.make_async_copy(
                w1_h.at[pl.ds(vbase, VB)], wf_v.at[par, 1], sem_in),
        ]

    def out_copy(b, par):
        return pltpu.make_async_copy(
            out_v.at[par],
            out_hbm.at[pl.ds(rows, CPT), pl.ds(b * VB, VB)], sem_out)

    for cp in in_copies(0, 0):
        cp.start()

    def blk_body(b, carry):
        par = lax.rem(b, 2)
        for cp in in_copies(b, par):
            cp.wait()

        @pl.when(b + 1 < NBLK)
        def _():
            for cp in in_copies(b + 1, 1 - par):
                cp.start()

        @pl.when(b >= 2)
        def _():
            out_copy(b - 2, par).wait()

        def g_body(g, carry2):
            accs = []
            for k in range(2):
                s = pl.ds((g * 2 + k) * 16, 16)
                c0 = ci_v[par, 0, s]
                c1 = ci_v[par, 1, s]
                w0 = wf_v[par, 0, s]
                w1 = wf_v[par, 1, s]
                for c in range(CPT):
                    cvec = jnp.full((16,), c, jnp.int32)
                    accs.append(w0 * plsc.load_gather(tbl_v, [cvec, c0])
                                + w1 * plsc.load_gather(tbl_v, [cvec, c1]))
            for k in range(2):
                s = pl.ds((g * 2 + k) * 16, 16)
                for c in range(CPT):
                    out_v[par, c, s] = accs[k * CPT + c]
            return carry2

        lax.fori_loop(0, VB // 32, g_body, 0)
        out_copy(b, par).start()
        return carry

    lax.fori_loop(0, NBLK, blk_body, 0)
    out_copy(NBLK - 2, lax.rem(NBLK - 2, 2)).wait()
    out_copy(NBLK - 1, lax.rem(NBLK - 1, 2)).wait()


def kernel(feature2d, depth_mapping_3d, conv_w, bn_gamma, bn_beta):
    f2d = feature2d.reshape(C_IN, NPIX)
    idx = depth_mapping_3d.reshape(N_VOX).astype(jnp.int32)
    tblx = pl.pallas_call(
        _stage1_body,
        out_shape=jax.ShapeDtypeStruct((FEAT, NXUP), jnp.float32),
    )(conv_w, f2d, bn_gamma.reshape(FEAT, 1), bn_beta.reshape(FEAT, 1))

    c0, c1, w0, w1 = pl.pallas_call(
        _prep_body,
        out_shape=[jax.ShapeDtypeStruct((N_VOX,), jnp.int32)] * 2
        + [jax.ShapeDtypeStruct((N_VOX,), jnp.float32)] * 2,
    )(idx)

    mesh = plsc.VectorSubcoreMesh(core_axis_name="c", subcore_axis_name="s")
    sc = functools.partial(
        pl.kernel,
        mesh=mesh,
        out_type=jax.ShapeDtypeStruct((FEAT, N_VOX), jnp.float32),
        scratch_types=[
            pltpu.VMEM((CPT, NXUP), jnp.float32),
            pltpu.VMEM((2, 2, VB), jnp.int32),
            pltpu.VMEM((2, 2, VB), jnp.float32),
            pltpu.VMEM((2, CPT, VB), jnp.float32),
            pltpu.SemaphoreType.DMA,
            pltpu.SemaphoreType.DMA,
        ],
        compiler_params=pltpu.CompilerParams(
            use_tc_tiling_on_sc=False, needs_layout_passes=False),
    )(_sc_gather)
    out = sc(tblx, c0, c1, w0, w1)
    return out.reshape(1, FEAT, 60, 36, 60)

# --- scband reference (transcript-rebuilt; emitter-appended) ---
"""Pipeline reference for scband-projection-4372276707788 (READ-ONLY COPY).

The authoritative reference and input builder live on the scoring server;
editing this copy changes nothing except your own understanding.
"""

import jax, jax.numpy as jnp
import numpy as np

B, C_IN, H, W = 1, 2048, 15, 20
FEAT = 512
SCALE = 16
N_VOX = 60 * 36 * 60


def _interp_bilinear_align(x, out_h, out_w):
    b, c, h, w = x.shape
    ys = jnp.linspace(0.0, h - 1, out_h)
    xs = jnp.linspace(0.0, w - 1, out_w)
    y0 = jnp.floor(ys).astype(jnp.int32)
    y1 = jnp.minimum(y0 + 1, h - 1)
    x0 = jnp.floor(xs).astype(jnp.int32)
    x1 = jnp.minimum(x0 + 1, w - 1)
    wy = (ys - y0.astype(jnp.float32))[None, None, :, None]
    wx = (xs - x0.astype(jnp.float32))[None, None, None, :]
    v00 = x[:, :, y0, :][:, :, :, x0]
    v01 = x[:, :, y0, :][:, :, :, x1]
    v10 = x[:, :, y1, :][:, :, :, x0]
    v11 = x[:, :, y1, :][:, :, :, x1]
    top = v00 * (1.0 - wx) + v01 * wx
    bot = v10 * (1.0 - wx) + v11 * wx
    return top * (1.0 - wy) + bot * wy


def setup_inputs(seed: int = 0):
    key = jax.random.key(seed)
    k1, k2, k3 = jax.random.split(key, 3)
    feature2d = jax.random.normal(k1, (B, C_IN, H, W), dtype=jnp.float32)
    hw = (H * SCALE) * (W * SCALE)  # 76800; index hw maps to the zero vector
    depth_mapping_3d = jax.random.randint(k2, (B, N_VOX), 0, hw + 1).astype(jnp.int64)
    conv_w = jax.random.normal(k3, (FEAT, C_IN), dtype=jnp.float32) * 0.02
    bn_gamma = jnp.ones((FEAT,), dtype=jnp.float32)
    bn_beta = jnp.zeros((FEAT,), dtype=jnp.float32)
    return {"feature2d": feature2d, "depth_mapping_3d": depth_mapping_3d,
            "conv_w": conv_w, "bn_gamma": bn_gamma, "bn_beta": bn_beta}


def reference(feature2d, depth_mapping_3d, conv_w, bn_gamma, bn_beta):
    # downsample: 1x1 conv -> BN (training-mode batch stats) -> ReLU
    x = jnp.einsum('bchw,fc->bfhw', feature2d, conv_w)
    mean = jnp.mean(x, axis=(0, 2, 3), keepdims=True)
    var = jnp.var(x, axis=(0, 2, 3), keepdims=True)
    x = (x - mean) / jnp.sqrt(var + 1e-5)
    x = x * bn_gamma[None, :, None, None] + bn_beta[None, :, None, None]
    x = jnp.maximum(x, 0.0)
    # bilinear upsample x16, align_corners=True
    x = _interp_bilinear_align(x, H * SCALE, W * SCALE)
    b, c, h, w = x.shape
    flat = x.reshape(b, c, h * w).transpose(0, 2, 1)  # [b, h*w, c]
    zeros_vec = jnp.zeros((b, 1, c), dtype=flat.dtype)
    seg_vec = jnp.concatenate([flat, zeros_vec], axis=1)  # [b, h*w+1, c]
    gathered = jax.vmap(lambda s, i: jnp.take(s, i, axis=0))(seg_vec, depth_mapping_3d)
    out = gathered.transpose(0, 2, 1).reshape(b, c, 60, 36, 60)
    return out

if __name__ == "__main__":
    import jax
    _d = setup_inputs()
    print(jax.jit(kernel)(*tuple(_d.values())))

</pallas_src>

<mosaic_0001>
#map = affine_map<(d0, d1) -> (0, 0)>
#map1 = affine_map<(d0, d1) -> (0)>
module attributes {stable_mosaic.version = 14 : i64} {
  func.func @_sc_gather(%arg0: i32, %arg1: i32, %arg2: memref<512x4800xf32, #tpu.memory_space<hbm>>, %arg3: memref<129600xi32, #tpu.memory_space<hbm>>, %arg4: memref<129600xi32, #tpu.memory_space<hbm>>, %arg5: memref<129600xf32, #tpu.memory_space<hbm>>, %arg6: memref<129600xf32, #tpu.memory_space<hbm>>, %arg7: memref<512x129600xf32, #tpu.memory_space<hbm>>, %arg8: memref<16x4800xf32, #tpu.memory_space<vmem>>, %arg9: memref<2x2x576xi32, #tpu.memory_space<vmem>>, %arg10: memref<2x2x576xf32, #tpu.memory_space<vmem>>, %arg11: memref<2x16x576xf32, #tpu.memory_space<vmem>>, %arg12: memref<!tpu.dma_semaphore, #tpu.memory_space<semaphore_mem>>, %arg13: memref<!tpu.dma_semaphore, #tpu.memory_space<semaphore_mem>>) attributes {dimension_semantics = [#tpu.dimension_semantics<core_parallel>, #tpu.dimension_semantics<subcore_parallel>], iteration_bounds = array<i64: 2, 16>, scalar_prefetch = 0 : i64, scratch_operands = 6 : i64, tpu.core_type = #tpu.core_type<sc_vector_subcore>, window_params = [{transform_indices = #map}, {transform_indices = #map1}, {transform_indices = #map1}, {transform_indices = #map1}, {transform_indices = #map1}, {transform_indices = #map}]} {
    %mul3A = arith.constant 2 : i32
    %mul3A_0 = arith.muli %arg1, %mul3A : i32
    %add3A = arith.addi %mul3A_0, %arg0 : i32
    %mul3A_1 = arith.constant 16 : i32
    %mul3A_2 = arith.muli %add3A, %mul3A_1 : i32
    "tpu.region"() ({
      %run_scoped3A = tpu.sem_alloc : memref<!tpu.dma_semaphore, #tpu.memory_space<semaphore_mem>>
      %dma_start3A_83 = arith.constant 0 : i32
      %dma_start3A_84 = tpu.memref_slice %arg2[%mul3A_2, %dma_start3A_83] : memref<512x4800xf32, #tpu.memory_space<hbm>> -> memref<16x4800xf32, #tpu.memory_space<hbm>>
      %dma_start3A_85 = arith.constant 0 : i32
      %dma_start3A_86 = tpu.memref_slice %arg2[%mul3A_2, %dma_start3A_85] : memref<512x4800xf32, #tpu.memory_space<hbm>> -> memref<16x4800xf32, #tpu.memory_space<hbm>>
      tpu.enqueue_dma source(%dma_start3A_86 : memref<16x4800xf32, #tpu.memory_space<hbm>>) target(%arg8 : memref<16x4800xf32, #tpu.memory_space<vmem>>) target_semaphore(%run_scoped3A : memref<!tpu.dma_semaphore, #tpu.memory_space<semaphore_mem>>)
      %dma_wait3A_87 = arith.constant 0 : i32
      %dma_wait3A_88 = tpu.memref_slice %arg2[%mul3A_2, %dma_wait3A_87] : memref<512x4800xf32, #tpu.memory_space<hbm>> -> memref<16x4800xf32, #tpu.memory_space<hbm>>
      %dma_wait3A_89 = arith.constant 0 : i32
      %dma_wait3A_90 = tpu.memref_slice %arg2[%mul3A_2, %dma_wait3A_89] : memref<512x4800xf32, #tpu.memory_space<hbm>> -> memref<16x4800xf32, #tpu.memory_space<hbm>>
      tpu.wait_dma2 semaphore(%run_scoped3A : memref<!tpu.dma_semaphore, #tpu.memory_space<semaphore_mem>>) src(%dma_wait3A_90 : memref<16x4800xf32, #tpu.memory_space<hbm>>) dst(%arg8 : memref<16x4800xf32, #tpu.memory_space<vmem>>)
      tpu.yield
    }) : () -> ()
    %dma_start3A = arith.constant 0 : i32
    %dma_start3A_3 = arith.constant 0 : i32
    %dma_start3A_4 = arith.constant 0 : i32
    %dma_start3A_5 = tpu.memref_slice %arg9[%dma_start3A, %dma_start3A_3, %dma_start3A_4] : memref<2x2x576xi32, #tpu.memory_space<vmem>> -> memref<1x1x576xi32, #tpu.memory_space<vmem>>
    %dma_start3A_6 = tpu.memref_squeeze %dma_start3A_5 : memref<1x1x576xi32, #tpu.memory_space<vmem>> -> memref<576xi32, #tpu.memory_space<vmem>>
    %dma_start3A_7 = arith.constant 0 : i32
    %dma_start3A_8 = tpu.memref_slice %arg3[%dma_start3A_7] : memref<129600xi32, #tpu.memory_space<hbm>> -> memref<576xi32, #tpu.memory_space<hbm>>
    %dma_start3A_9 = arith.constant 0 : i32
    %dma_start3A_10 = tpu.memref_slice %arg9[%dma_start3A, %dma_start3A_3, %dma_start3A_9] : memref<2x2x576xi32, #tpu.memory_space<vmem>> -> memref<1x1x576xi32, #tpu.memory_space<vmem>>
    %dma_start3A_11 = tpu.memref_squeeze %dma_start3A_10 : memref<1x1x576xi32, #tpu.memory_space<vmem>> -> memref<576xi32, #tpu.memory_space<vmem>>
    %dma_start3A_12 = arith.constant 0 : i32
    %dma_start3A_13 = tpu.memref_slice %arg3[%dma_start3A_12] : memref<129600xi32, #tpu.memory_space<hbm>> -> memref<576xi32, #tpu.memory_space<hbm>>
    tpu.enqueue_dma source(%dma_start3A_13 : memref<576xi32, #tpu.memory_space<hbm>>) target(%dma_start3A_11 : memref<576xi32, #tpu.memory_space<vmem>>) target_semaphore(%arg12 : memref<!tpu.dma_semaphore, #tpu.memory_space<semaphore_mem>>)
    %dma_start3A_14 = arith.constant 0 : i32
    %dma_start3A_15 = arith.constant 1 : i32
    %dma_start3A_16 = arith.constant 0 : i32
    %dma_start3A_17 = tpu.memref_slice %arg9[%dma_start3A_14, %dma_start3A_15, %dma_start3A_16] : memref<2x2x576xi32, #tpu.memory_space<vmem>> -> memref<1x1x576xi32, #tpu.memory_space<vmem>>
    %dma_start3A_18 = tpu.memref_squeeze %dma_start3A_17 : memref<1x1x576xi32, #tpu.memory_space<vmem>> -> memref<576xi32, #tpu.memory_space<vmem>>
    %dma_start3A_19 = arith.constant 0 : i32
    %dma_start3A_20 = tpu.memref_slice %arg4[%dma_start3A_19] : memref<129600xi32, #tpu.memory_space<hbm>> -> memref<576xi32, #tpu.memory_space<hbm>>
    %dma_start3A_21 = arith.constant 0 : i32
    %dma_start3A_22 = tpu.memref_slice %arg9[%dma_start3A_14, %dma_start3A_15, %dma_start3A_21] : memref<2x2x576xi32, #tpu.memory_space<vmem>> -> memref<1x1x576xi32, #tpu.memory_space<vmem>>
    %dma_start3A_23 = tpu.memref_squeeze %dma_start3A_22 : memref<1x1x576xi32, #tpu.memory_space<vmem>> -> memref<576xi32, #tpu.memory_space<vmem>>
    %dma_start3A_24 = arith.constant 0 : i32
    %dma_start3A_25 = tpu.memref_slice %arg4[%dma_start3A_24] : memref<129600xi32, #tpu.memory_space<hbm>> -> memref<576xi32, #tpu.memory_space<hbm>>
    tpu.enqueue_dma source(%dma_start3A_25 : memref<576xi32, #tpu.memory_space<hbm>>) target(%dma_start3A_23 : memref<576xi32, #tpu.memory_space<vmem>>) target_semaphore(%arg12 : memref<!tpu.dma_semaphore, #tpu.memory_space<semaphore_mem>>)
    %dma_start3A_26 = arith.constant 0 : i32
    %dma_start3A_27 = arith.constant 0 : i32
    %dma_start3A_28 = arith.constant 0 : i32
    %dma_start3A_29 = tpu.memref_slice %arg10[%dma_start3A_26, %dma_start3A_27, %dma_start3A_28] : memref<2x2x576xf32, #tpu.memory_space<vmem>> -> memref<1x1x576xf32, #tpu.memory_space<vmem>>
    %dma_start3A_30 = tpu.memref_squeeze %dma_start3A_29 : memref<1x1x576xf32, #tpu.memory_space<vmem>> -> memref<576xf32, #tpu.memory_space<vmem>>
    %dma_start3A_31 = arith.constant 0 : i32
    %dma_start3A_32 = tpu.memref_slice %arg5[%dma_start3A_31] : memref<129600xf32, #tpu.memory_space<hbm>> -> memref<576xf32, #tpu.memory_space<hbm>>
    %dma_start3A_33 = arith.constant 0 : i32
    %dma_start3A_34 = tpu.memref_slice %arg10[%dma_start3A_26, %dma_start3A_27, %dma_start3A_33] : memref<2x2x576xf32, #tpu.memory_space<vmem>> -> memref<1x1x576xf32, #tpu.memory_space<vmem>>
    %dma_start3A_35 = tpu.memref_squeeze %dma_start3A_34 : memref<1x1x576xf32, #tpu.memory_space<vmem>> -> memref<576xf32, #tpu.memory_space<vmem>>
    %dma_start3A_36 = arith.constant 0 : i32
    %dma_start3A_37 = tpu.memref_slice %arg5[%dma_start3A_36] : memref<129600xf32, #tpu.memory_space<hbm>> -> memref<576xf32, #tpu.memory_space<hbm>>
    tpu.enqueue_dma source(%dma_start3A_37 : memref<576xf32, #tpu.memory_space<hbm>>) target(%dma_start3A_35 : memref<576xf32, #tpu.memory_space<vmem>>) target_semaphore(%arg12 : memref<!tpu.dma_semaphore, #tpu.memory_space<semaphore_mem>>)
    %dma_start3A_38 = arith.constant 0 : i32
    %dma_start3A_39 = arith.constant 1 : i32
    %dma_start3A_40 = arith.constant 0 : i32
    %dma_start3A_41 = tpu.memref_slice %arg10[%dma_start3A_38, %dma_start3A_39, %dma_start3A_40] : memref<2x2x576xf32, #tpu.memory_space<vmem>> -> memref<1x1x576xf32, #tpu.memory_space<vmem>>
    %dma_start3A_42 = tpu.memref_squeeze %dma_start3A_41 : memref<1x1x576xf32, #tpu.memory_space<vmem>> -> memref<576xf32, #tpu.memory_space<vmem>>
    %dma_start3A_43 = arith.constant 0 : i32
    %dma_start3A_44 = tpu.memref_slice %arg6[%dma_start3A_43] : memref<129600xf32, #tpu.memory_space<hbm>> -> memref<576xf32, #tpu.memory_space<hbm>>
    %dma_start3A_45 = arith.constant 0 : i32
    %dma_start3A_46 = tpu.memref_slice %arg10[%dma_start3A_38, %dma_start3A_39, %dma_start3A_45] : memref<2x2x576xf32, #tpu.memory_space<vmem>> -> memref<1x1x576xf32, #tpu.memory_space<vmem>>
    %dma_start3A_47 = tpu.memref_squeeze %dma_start3A_46 : memref<1x1x576xf32, #tpu.memory_space<vmem>> -> memref<576xf32, #tpu.memory_space<vmem>>
    %dma_start3A_48 = arith.constant 0 : i32
    %dma_start3A_49 = tpu.memref_slice %arg6[%dma_start3A_48] : memref<129600xf32, #tpu.memory_space<hbm>> -> memref<576xf32, #tpu.memory_space<hbm>>
    tpu.enqueue_dma source(%dma_start3A_49 : memref<576xf32, #tpu.memory_space<hbm>>) target(%dma_start3A_47 : memref<576xf32, #tpu.memory_space<vmem>>) target_semaphore(%arg12 : memref<!tpu.dma_semaphore, #tpu.memory_space<semaphore_mem>>)
    %scan3A = arith.constant 0 : i32
    %scan3A_50 = arith.constant 0 : i32
    %scan3A_51 = arith.constant 225 : i32
    %scan3A_52 = arith.addi %scan3A_50, %scan3A_51 : i32
    %scan3A_53 = arith.constant 1 : i32
    scf.for %scan3A_83 = %scan3A_50 to %scan3A_52 step %scan3A_53  : i32 {
      %rem3A_84 = arith.constant 2 : i32
      %rem3A_85 = arith.remsi %scan3A_83, %rem3A_84 : i32
      %mul3A_86 = arith.constant 576 : i32
      %mul3A_87 = arith.muli %scan3A_83, %mul3A_86 : i32
      %dma_wait3A_88 = arith.constant 0 : i32
      %dma_wait3A_89 = arith.constant 0 : i32
      %dma_wait3A_90 = tpu.memref_slice %arg9[%rem3A_85, %dma_wait3A_88, %dma_wait3A_89] : memref<2x2x576xi32, #tpu.memory_space<vmem>> -> memref<1x1x576xi32, #tpu.memory_space<vmem>>
      %dma_wait3A_91 = tpu.memref_squeeze %dma_wait3A_90 : memref<1x1x576xi32, #tpu.memory_space<vmem>> -> memref<576xi32, #tpu.memory_space<vmem>>
      %dma_wait3A_92 = tpu.memref_slice %arg3[%mul3A_87] : memref<129600xi32, #tpu.memory_space<hbm>> -> memref<576xi32, #tpu.memory_space<hbm>>
      %dma_wait3A_93 = arith.constant 0 : i32
      %dma_wait3A_94 = tpu.memref_slice %arg9[%rem3A_85, %dma_wait3A_88, %dma_wait3A_93] : memref<2x2x576xi32, #tpu.memory_space<vmem>> -> memref<1x1x576xi32, #tpu.memory_space<vmem>>
      %dma_wait3A_95 = tpu.memref_squeeze %dma_wait3A_94 : memref<1x1x576xi32, #tpu.memory_space<vmem>> -> memref<576xi32, #tpu.memory_space<vmem>>
      %dma_wait3A_96 = tpu.memref_slice %arg3[%mul3A_87] : memref<129600xi32, #tpu.memory_space<hbm>> -> memref<576xi32, #tpu.memory_space<hbm>>
      tpu.wait_dma2 semaphore(%arg12 : memref<!tpu.dma_semaphore, #tpu.memory_space<semaphore_mem>>) src(%dma_wait3A_96 : memref<576xi32, #tpu.memory_space<hbm>>) dst(%dma_wait3A_95 : memref<576xi32, #tpu.memory_space<vmem>>)
      %dma_wait3A_97 = arith.constant 1 : i32
      %dma_wait3A_98 = arith.constant 0 : i32
      %dma_wait3A_99 = tpu.memref_slice %arg9[%rem3A_85, %dma_wait3A_97, %dma_wait3A_98] : memref<2x2x576xi32, #tpu.memory_space<vmem>> -> memref<1x1x576xi32, #tpu.memory_space<vmem>>
      %dma_wait3A_100 = tpu.memref_squeeze %dma_wait3A_99 : memref<1x1x576xi32, #tpu.memory_space<vmem>> -> memref<576xi32, #tpu.memory_space<vmem>>
      %dma_wait3A_101 = tpu.memref_slice %arg4[%mul3A_87] : memref<129600xi32, #tpu.memory_space<hbm>> -> memref<576xi32, #tpu.memory_space<hbm>>
      %dma_wait3A_102 = arith.constant 0 : i32
      %dma_wait3A_103 = tpu.memref_slice %arg9[%rem3A_85, %dma_wait3A_97, %dma_wait3A_102] : memref<2x2x576xi32, #tpu.memory_space<vmem>> -> memref<1x1x576xi32, #tpu.memory_space<vmem>>
      %dma_wait3A_104 = tpu.memref_squeeze %dma_wait3A_103 : memref<1x1x576xi32, #tpu.memory_space<vmem>> -> memref<576xi32, #tpu.memory_space<vmem>>
      %dma_wait3A_105 = tpu.memref_slice %arg4[%mul3A_87] : memref<129600xi32, #tpu.memory_space<hbm>> -> memref<576xi32, #tpu.memory_space<hbm>>
      tpu.wait_dma2 semaphore(%arg12 : memref<!tpu.dma_semaphore, #tpu.memory_space<semaphore_mem>>) src(%dma_wait3A_105 : memref<576xi32, #tpu.memory_space<hbm>>) dst(%dma_wait3A_104 : memref<576xi32, #tpu.memory_space<vmem>>)
      %dma_wait3A_106 = arith.constant 0 : i32
      %dma_wait3A_107 = arith.constant 0 : i32
      %dma_wait3A_108 = tpu.memref_slice %arg10[%rem3A_85, %dma_wait3A_106, %dma_wait3A_107] : memref<2x2x576xf32, #tpu.memory_space<vmem>> -> memref<1x1x576xf32, #tpu.memory_space<vmem>>
      %dma_wait3A_109 = tpu.memref_squeeze %dma_wait3A_108 : memref<1x1x576xf32, #tpu.memory_space<vmem>> -> memref<576xf32, #tpu.memory_space<vmem>>
      %dma_wait3A_110 = tpu.memref_slice %arg5[%mul3A_87] : memref<129600xf32, #tpu.memory_space<hbm>> -> memref<576xf32, #tpu.memory_space<hbm>>
      %dma_wait3A_111 = arith.constant 0 : i32
      %dma_wait3A_112 = tpu.memref_slice %arg10[%rem3A_85, %dma_wait3A_106, %dma_wait3A_111] : memref<2x2x576xf32, #tpu.memory_space<vmem>> -> memref<1x1x576xf32, #tpu.memory_space<vmem>>
      %dma_wait3A_113 = tpu.memref_squeeze %dma_wait3A_112 : memref<1x1x576xf32, #tpu.memory_space<vmem>> -> memref<576xf32, #tpu.memory_space<vmem>>
      %dma_wait3A_114 = tpu.memref_slice %arg5[%mul3A_87] : memref<129600xf32, #tpu.memory_space<hbm>> -> memref<576xf32, #tpu.memory_space<hbm>>
      tpu.wait_dma2 semaphore(%arg12 : memref<!tpu.dma_semaphore, #tpu.memory_space<semaphore_mem>>) src(%dma_wait3A_114 : memref<576xf32, #tpu.memory_space<hbm>>) dst(%dma_wait3A_113 : memref<576xf32, #tpu.memory_space<vmem>>)
      %dma_wait3A_115 = arith.constant 1 : i32
      %dma_wait3A_116 = arith.constant 0 : i32
      %dma_wait3A_117 = tpu.memref_slice %arg10[%rem3A_85, %dma_wait3A_115, %dma_wait3A_116] : memref<2x2x576xf32, #tpu.memory_space<vmem>> -> memref<1x1x576xf32, #tpu.memory_space<vmem>>
      %dma_wait3A_118 = tpu.memref_squeeze %dma_wait3A_117 : memref<1x1x576xf32, #tpu.memory_space<vmem>> -> memref<576xf32, #tpu.memory_space<vmem>>
      %dma_wait3A_119 = tpu.memref_slice %arg6[%mul3A_87] : memref<129600xf32, #tpu.memory_space<hbm>> -> memref<576xf32, #tpu.memory_space<hbm>>
      %dma_wait3A_120 = arith.constant 0 : i32
      %dma_wait3A_121 = tpu.memref_slice %arg10[%rem3A_85, %dma_wait3A_115, %dma_wait3A_120] : memref<2x2x576xf32, #tpu.memory_space<vmem>> -> memref<1x1x576xf32, #tpu.memory_space<vmem>>
      %dma_wait3A_122 = tpu.memref_squeeze %dma_wait3A_121 : memref<1x1x576xf32, #tpu.memory_space<vmem>> -> memref<576xf32, #tpu.memory_space<vmem>>
      %dma_wait3A_123 = tpu.memref_slice %arg6[%mul3A_87] : memref<129600xf32, #tpu.memory_space<hbm>> -> memref<576xf32, #tpu.memory_space<hbm>>
      tpu.wait_dma2 semaphore(%arg12 : memref<!tpu.dma_semaphore, #tpu.memory_space<semaphore_mem>>) src(%dma_wait3A_123 : memref<576xf32, #tpu.memory_space<hbm>>) dst(%dma_wait3A_122 : memref<576xf32, #tpu.memory_space<vmem>>)
      %add3A_124 = arith.constant 1 : i32
      %add3A_125 = arith.addi %scan3A_83, %add3A_124 : i32
      %lt3A = arith.constant 225 : i32
      %lt3A_126 = arith.cmpi slt, %add3A_125, %lt3A : i32
      %convert_element_type3A = arith.extui %lt3A_126 : i1 to i32
      %cond3A = arith.constant 0 : i32
      %cond3A_127 = arith.cmpi ne, %convert_element_type3A, %cond3A : i32
      scf.if %cond3A_127 {
        %add3A_150 = arith.constant 1 : i32
        %add3A_151 = arith.addi %scan3A_83, %add3A_150 : i32
        %sub3A = arith.constant 1 : i32
        %sub3A_152 = arith.subi %sub3A, %rem3A_85 : i32
        %mul3A_153 = arith.constant 576 : i32
        %mul3A_154 = arith.muli %add3A_151, %mul3A_153 : i32
        %dma_start3A_155 = arith.constant 0 : i32
        %dma_start3A_156 = arith.constant 0 : i32
        %dma_start3A_157 = tpu.memref_slice %arg9[%sub3A_152, %dma_start3A_155, %dma_start3A_156] : memref<2x2x576xi32, #tpu.memory_space<vmem>> -> memref<1x1x576xi32, #tpu.memory_space<vmem>>
        %dma_start3A_158 = tpu.memref_squeeze %dma_start3A_157 : memref<1x1x576xi32, #tpu.memory_space<vmem>> -> memref<576xi32, #tpu.memory_space<vmem>>
        %dma_start3A_159 = tpu.memref_slice %arg3[%mul3A_154] : memref<129600xi32, #tpu.memory_space<hbm>> -> memref<576xi32, #tpu.memory_space<hbm>>
        %dma_start3A_160 = arith.constant 0 : i32
        %dma_start3A_161 = tpu.memref_slice %arg9[%sub3A_152, %dma_start3A_155, %dma_start3A_160] : memref<2x2x576xi32, #tpu.memory_space<vmem>> -> memref<1x1x576xi32, #tpu.memory_space<vmem>>
        %dma_start3A_162 = tpu.memref_squeeze %dma_start3A_161 : memref<1x1x576xi32, #tpu.memory_space<vmem>> -> memref<576xi32, #tpu.memory_space<vmem>>
        %dma_start3A_163 = tpu.memref_slice %arg3[%mul3A_154] : memref<129600xi32, #tpu.memory_space<hbm>> -> memref<576xi32, #tpu.memory_space<hbm>>
        tpu.enqueue_dma source(%dma_start3A_163 : memref<576xi32, #tpu.memory_space<hbm>>) target(%dma_start3A_162 : memref<576xi32, #tpu.memory_space<vmem>>) target_semaphore(%arg12 : memref<!tpu.dma_semaphore, #tpu.memory_space<semaphore_mem>>)
        %dma_start3A_164 = arith.constant 1 : i32
        %dma_start3A_165 = arith.constant 0 : i32
        %dma_start3A_166 = tpu.memref_slice %arg9[%sub3A_152, %dma_start3A_164, %dma_start3A_165] : memref<2x2x576xi32, #tpu.memory_space<vmem>> -> memref<1x1x576xi32, #tpu.memory_space<vmem>>
        %dma_start3A_167 = tpu.memref_squeeze %dma_start3A_166 : memref<1x1x576xi32, #tpu.memory_space<vmem>> -> memref<576xi32, #tpu.memory_space<vmem>>
        %dma_start3A_168 = tpu.memref_slice %arg4[%mul3A_154] : memref<129600xi32, #tpu.memory_space<hbm>> -> memref<576xi32, #tpu.memory_space<hbm>>
        %dma_start3A_169 = arith.constant 0 : i32
        %dma_start3A_170 = tpu.memref_slice %arg9[%sub3A_152, %dma_start3A_164, %dma_start3A_169] : memref<2x2x576xi32, #tpu.memory_space<vmem>> -> memref<1x1x576xi32, #tpu.memory_space<vmem>>
        %dma_start3A_171 = tpu.memref_squeeze %dma_start3A_170 : memref<1x1x576xi32, #tpu.memory_space<vmem>> -> memref<576xi32, #tpu.memory_space<vmem>>
        %dma_start3A_172 = tpu.memref_slice %arg4[%mul3A_154] : memref<129600xi32, #tpu.memory_space<hbm>> -> memref<576xi32, #tpu.memory_space<hbm>>
        tpu.enqueue_dma source(%dma_start3A_172 : memref<576xi32, #tpu.memory_space<hbm>>) target(%dma_start3A_171 : memref<576xi32, #tpu.memory_space<vmem>>) target_semaphore(%arg12 : memref<!tpu.dma_semaphore, #tpu.memory_space<semaphore_mem>>)
        %dma_start3A_173 = arith.constant 0 : i32
        %dma_start3A_174 = arith.constant 0 : i32
        %dma_start3A_175 = tpu.memref_slice %arg10[%sub3A_152, %dma_start3A_173, %dma_start3A_174] : memref<2x2x576xf32, #tpu.memory_space<vmem>> -> memref<1x1x576xf32, #tpu.memory_space<vmem>>
        %dma_start3A_176 = tpu.memref_squeeze %dma_start3A_175 : memref<1x1x576xf32, #tpu.memory_space<vmem>> -> memref<576xf32, #tpu.memory_space<vmem>>
        %dma_start3A_177 = tpu.memref_slice %arg5[%mul3A_154] : memref<129600xf32, #tpu.memory_space<hbm>> -> memref<576xf32, #tpu.memory_space<hbm>>
        %dma_start3A_178 = arith.constant 0 : i32
        %dma_start3A_179 = tpu.memref_slice %arg10[%sub3A_152, %dma_start3A_173, %dma_start3A_178] : memref<2x2x576xf32, #tpu.memory_space<vmem>> -> memref<1x1x576xf32, #tpu.memory_space<vmem>>
        %dma_start3A_180 = tpu.memref_squeeze %dma_start3A_179 : memref<1x1x576xf32, #tpu.memory_space<vmem>> -> memref<576xf32, #tpu.memory_space<vmem>>
        %dma_start3A_181 = tpu.memref_slice %arg5[%mul3A_154] : memref<129600xf32, #tpu.memory_space<hbm>> -> memref<576xf32, #tpu.memory_space<hbm>>
        tpu.enqueue_dma source(%dma_start3A_181 : memref<576xf32, #tpu.memory_space<hbm>>) target(%dma_start3A_180 : memref<576xf32, #tpu.memory_space<vmem>>) target_semaphore(%arg12 : memref<!tpu.dma_semaphore, #tpu.memory_space<semaphore_mem>>)
        %dma_start3A_182 = arith.constant 1 : i32
        %dma_start3A_183 = arith.constant 0 : i32
        %dma_start3A_184 = tpu.memref_slice %arg10[%sub3A_152, %dma_start3A_182, %dma_start3A_183] : memref<2x2x576xf32, #tpu.memory_space<vmem>> -> memref<1x1x576xf32, #tpu.memory_space<vmem>>
        %dma_start3A_185 = tpu.memref_squeeze %dma_start3A_184 : memref<1x1x576xf32, #tpu.memory_space<vmem>> -> memref<576xf32, #tpu.memory_space<vmem>>
        %dma_start3A_186 = tpu.memref_slice %arg6[%mul3A_154] : memref<129600xf32, #tpu.memory_space<hbm>> -> memref<576xf32, #tpu.memory_space<hbm>>
        %dma_start3A_187 = arith.constant 0 : i32
        %dma_start3A_188 = tpu.memref_slice %arg10[%sub3A_152, %dma_start3A_182, %dma_start3A_187] : memref<2x2x576xf32, #tpu.memory_space<vmem>> -> memref<1x1x576xf32, #tpu.memory_space<vmem>>
        %dma_start3A_189 = tpu.memref_squeeze %dma_start3A_188 : memref<1x1x576xf32, #tpu.memory_space<vmem>> -> memref<576xf32, #tpu.memory_space<vmem>>
        %dma_start3A_190 = tpu.memref_slice %arg6[%mul3A_154] : memref<129600xf32, #tpu.memory_space<hbm>> -> memref<576xf32, #tpu.memory_space<hbm>>
        tpu.enqueue_dma source(%dma_start3A_190 : memref<576xf32, #tpu.memory_space<hbm>>) target(%dma_start3A_189 : memref<576xf32, #tpu.memory_space<vmem>>) target_semaphore(%arg12 : memref<!tpu.dma_semaphore, #tpu.memory_space<semaphore_mem>>)
      } else {
      }
      %ge3A = arith.constant 2 : i32
      %ge3A_128 = arith.cmpi sge, %scan3A_83, %ge3A : i32
      %convert_element_type3A_129 = arith.extui %ge3A_128 : i1 to i32
      %cond3A_130 = arith.constant 0 : i32
      %cond3A_131 = arith.cmpi ne, %convert_element_type3A_129, %cond3A_130 : i32
      scf.if %cond3A_131 {
        %sub3A = arith.constant 2 : i32
        %sub3A_150 = arith.subi %scan3A_83, %sub3A : i32
        %mul3A_151 = arith.constant 576 : i32
        %mul3A_152 = arith.muli %sub3A_150, %mul3A_151 : i32
        %dma_wait3A_153 = arith.constant 0 : i32
        %dma_wait3A_154 = arith.constant 0 : i32
        %dma_wait3A_155 = tpu.memref_slice %arg11[%rem3A_85, %dma_wait3A_153, %dma_wait3A_154] : memref<2x16x576xf32, #tpu.memory_space<vmem>> -> memref<1x16x576xf32, #tpu.memory_space<vmem>>
        %dma_wait3A_156 = tpu.memref_squeeze %dma_wait3A_155 : memref<1x16x576xf32, #tpu.memory_space<vmem>> -> memref<16x576xf32, #tpu.memory_space<vmem>>
        %dma_wait3A_157 = tpu.memref_slice %arg7[%mul3A_2, %mul3A_152] : memref<512x129600xf32, #tpu.memory_space<hbm>> -> memref<16x576xf32, #tpu.memory_space<hbm>>
        %dma_wait3A_158 = tpu.memref_slice %arg7[%mul3A_2, %mul3A_152] : memref<512x129600xf32, #tpu.memory_space<hbm>> -> memref<16x576xf32, #tpu.memory_space<hbm>>
        %dma_wait3A_159 = arith.constant 0 : i32
        %dma_wait3A_160 = arith.constant 0 : i32
        %dma_wait3A_161 = tpu.memref_slice %arg11[%rem3A_85, %dma_wait3A_159, %dma_wait3A_160] : memref<2x16x576xf32, #tpu.memory_space<vmem>> -> memref<1x16x576xf32, #tpu.memory_space<vmem>>
        %dma_wait3A_162 = tpu.memref_squeeze %dma_wait3A_161 : memref<1x16x576xf32, #tpu.memory_space<vmem>> -> memref<16x576xf32, #tpu.memory_space<vmem>>
        tpu.wait_dma2 semaphore(%arg13 : memref<!tpu.dma_semaphore, #tpu.memory_space<semaphore_mem>>) src(%dma_wait3A_162 : memref<16x576xf32, #tpu.memory_space<vmem>>) dst(%dma_wait3A_158 : memref<16x576xf32, #tpu.memory_space<hbm>>)
      } else {
      }
      %scan3A_132 = arith.constant 0 : i32
      %scan3A_133 = arith.constant 0 : i32
      %scan3A_134 = arith.constant 18 : i32
      %scan3A_135 = arith.addi %scan3A_133, %scan3A_134 : i32
      %scan3A_136 = arith.constant 1 : i32
      scf.for %scan3A_150 = %scan3A_133 to %scan3A_135 step %scan3A_136  : i32 {
        %mul3A_151 = arith.constant 2 : i32
        %mul3A_152 = arith.muli %scan3A_150, %mul3A_151 : i32
        %add3A_153 = arith.constant 0 : i32
        %add3A_154 = arith.addi %mul3A_152, %add3A_153 : i32
        %mul3A_155 = arith.constant 16 : i32
        %mul3A_156 = arith.muli %add3A_154, %mul3A_155 : i32
        %get3A = arith.constant 0 : i32
        %get3A_157 = arith.index_cast %rem3A_85 : i32 to index
        %get3A_158 = arith.index_cast %get3A : i32 to index
        %get3A_159 = arith.index_cast %mul3A_156 : i32 to index
        %get3A_160 = tpu.vector_load %arg9[%get3A_157, %get3A_158, %get3A_159] {strides = array<i32>} : memref<2x2x576xi32, #tpu.memory_space<vmem>>, vector<16xi32>,
        %get3A_161 = arith.constant 1 : i32
        %get3A_162 = arith.index_cast %rem3A_85 : i32 to index
        %get3A_163 = arith.index_cast %get3A_161 : i32 to index
        %get3A_164 = arith.index_cast %mul3A_156 : i32 to index
        %get3A_165 = tpu.vector_load %arg9[%get3A_162, %get3A_163, %get3A_164] {strides = array<i32>} : memref<2x2x576xi32, #tpu.memory_space<vmem>>, vector<16xi32>,
        %get3A_166 = arith.constant 0 : i32
        %get3A_167 = arith.index_cast %rem3A_85 : i32 to index
        %get3A_168 = arith.index_cast %get3A_166 : i32 to index
        %get3A_169 = arith.index_cast %mul3A_156 : i32 to index
        %get3A_170 = tpu.vector_load %arg10[%get3A_167, %get3A_168, %get3A_169] {strides = array<i32>} : memref<2x2x576xf32, #tpu.memory_space<vmem>>, vector<16xf32>,
        %get3A_171 = arith.constant 1 : i32
        %get3A_172 = arith.index_cast %rem3A_85 : i32 to index
        %get3A_173 = arith.index_cast %get3A_171 : i32 to index
        %get3A_174 = arith.index_cast %mul3A_156 : i32 to index
        %get3A_175 = tpu.vector_load %arg10[%get3A_172, %get3A_173, %get3A_174] {strides = array<i32>} : memref<2x2x576xf32, #tpu.memory_space<vmem>>, vector<16xf32>,
        %broadcast_in_dim3A = arith.constant 0 : i32
        %broadcast_in_dim3A_176 = vector.broadcast %broadcast_in_dim3A : i32 to vector<16xi32>
        %gather3A = tpu.vector_load_idx %arg8[%broadcast_in_dim3A_176, %get3A_160] : memref<16x4800xf32, #tpu.memory_space<vmem>>[vector<16xi32>, vector<16xi32>], vector<16xf32>,
        %mul3A_177 = arith.mulf %get3A_170, %gather3A : vector<16xf32>
        %gather3A_178 = tpu.vector_load_idx %arg8[%broadcast_in_dim3A_176, %get3A_165] : memref<16x4800xf32, #tpu.memory_space<vmem>>[vector<16xi32>, vector<16xi32>], vector<16xf32>,
        %mul3A_179 = arith.mulf %get3A_175, %gather3A_178 : vector<16xf32>
        %add3A_180 = arith.addf %mul3A_177, %mul3A_179 : vector<16xf32>
        %broadcast_in_dim3A_181 = arith.constant 1 : i32
        %broadcast_in_dim3A_182 = vector.broadcast %broadcast_in_dim3A_181 : i32 to vector<16xi32>
        %gather3A_183 = tpu.vector_load_idx %arg8[%broadcast_in_dim3A_182, %get3A_160] : memref<16x4800xf32, #tpu.memory_space<vmem>>[vector<16xi32>, vector<16xi32>], vector<16xf32>,
        %mul3A_184 = arith.mulf %get3A_170, %gather3A_183 : vector<16xf32>
        %gather3A_185 = tpu.vector_load_idx %arg8[%broadcast_in_dim3A_182, %get3A_165] : memref<16x4800xf32, #tpu.memory_space<vmem>>[vector<16xi32>, vector<16xi32>], vector<16xf32>,
        %mul3A_186 = arith.mulf %get3A_175, %gather3A_185 : vector<16xf32>
        %add3A_187 = arith.addf %mul3A_184, %mul3A_186 : vector<16xf32>
        %broadcast_in_dim3A_188 = arith.constant 2 : i32
        %broadcast_in_dim3A_189 = vector.broadcast %broadcast_in_dim3A_188 : i32 to vector<16xi32>
        %gather3A_190 = tpu.vector_load_idx %arg8[%broadcast_in_dim3A_189, %get3A_160] : memref<16x4800xf32, #tpu.memory_space<vmem>>[vector<16xi32>, vector<16xi32>], vector<16xf32>,
        %mul3A_191 = arith.mulf %get3A_170, %gather3A_190 : vector<16xf32>
        %gather3A_192 = tpu.vector_load_idx %arg8[%broadcast_in_dim3A_189, %get3A_165] : memref<16x4800xf32, #tpu.memory_space<vmem>>[vector<16xi32>, vector<16xi32>], vector<16xf32>,
        %mul3A_193 = arith.mulf %get3A_175, %gather3A_192 : vector<16xf32>
        %add3A_194 = arith.addf %mul3A_191, %mul3A_193 : vector<16xf32>
        %broadcast_in_dim3A_195 = arith.constant 3 : i32
        %broadcast_in_dim3A_196 = vector.broadcast %broadcast_in_dim3A_195 : i32 to vector<16xi32>
        %gather3A_197 = tpu.vector_load_idx %arg8[%broadcast_in_dim3A_196, %get3A_160] : memref<16x4800xf32, #tpu.memory_space<vmem>>[vector<16xi32>, vector<16xi32>], vector<16xf32>,
        %mul3A_198 = arith.mulf %get3A_170, %gather3A_197 : vector<16xf32>
        %gather3A_199 = tpu.vector_load_idx %arg8[%broadcast_in_dim3A_196, %get3A_165] : memref<16x4800xf32, #tpu.memory_space<vmem>>[vector<16xi32>, vector<16xi32>], vector<16xf32>,
        %mul3A_200 = arith.mulf %get3A_175, %gather3A_199 : vector<16xf32>
        %add3A_201 = arith.addf %mul3A_198, %mul3A_200 : vector<16xf32>
        %broadcast_in_dim3A_202 = arith.constant 4 : i32
        %broadcast_in_dim3A_203 = vector.broadcast %broadcast_in_dim3A_202 : i32 to vector<16xi32>
        %gather3A_204 = tpu.vector_load_idx %arg8[%broadcast_in_dim3A_203, %get3A_160] : memref<16x4800xf32, #tpu.memory_space<vmem>>[vector<16xi32>, vector<16xi32>], vector<16xf32>,
        %mul3A_205 = arith.mulf %get3A_170, %gather3A_204 : vector<16xf32>
        %gather3A_206 = tpu.vector_load_idx %arg8[%broadcast_in_dim3A_203, %get3A_165] : memref<16x4800xf32, #tpu.memory_space<vmem>>[vector<16xi32>, vector<16xi32>], vector<16xf32>,
        %mul3A_207 = arith.mulf %get3A_175, %gather3A_206 : vector<16xf32>
        %add3A_208 = arith.addf %mul3A_205, %mul3A_207 : vector<16xf32>
        %broadcast_in_dim3A_209 = arith.constant 5 : i32
        %broadcast_in_dim3A_210 = vector.broadcast %broadcast_in_dim3A_209 : i32 to vector<16xi32>
        %gather3A_211 = tpu.vector_load_idx %arg8[%broadcast_in_dim3A_210, %get3A_160] : memref<16x4800xf32, #tpu.memory_space<vmem>>[vector<16xi32>, vector<16xi32>], vector<16xf32>,
        %mul3A_212 = arith.mulf %get3A_170, %gather3A_211 : vector<16xf32>
        %gather3A_213 = tpu.vector_load_idx %arg8[%broadcast_in_dim3A_210, %get3A_165] : memref<16x4800xf32, #tpu.memory_space<vmem>>[vector<16xi32>, vector<16xi32>], vector<16xf32>,
        %mul3A_214 = arith.mulf %get3A_175, %gather3A_213 : vector<16xf32>
        %add3A_215 = arith.addf %mul3A_212, %mul3A_214 : vector<16xf32>
        %broadcast_in_dim3A_216 = arith.constant 6 : i32
        %broadcast_in_dim3A_217 = vector.broadcast %broadcast_in_dim3A_216 : i32 to vector<16xi32>
        %gather3A_218 = tpu.vector_load_idx %arg8[%broadcast_in_dim3A_217, %get3A_160] : memref<16x4800xf32, #tpu.memory_space<vmem>>[vector<16xi32>, vector<16xi32>], vector<16xf32>,
        %mul3A_219 = arith.mulf %get3A_170, %gather3A_218 : vector<16xf32>
        %gather3A_220 = tpu.vector_load_idx %arg8[%broadcast_in_dim3A_217, %get3A_165] : memref<16x4800xf32, #tpu.memory_space<vmem>>[vector<16xi32>, vector<16xi32>], vector<16xf32>,
        %mul3A_221 = arith.mulf %get3A_175, %gather3A_220 : vector<16xf32>
        %add3A_222 = arith.addf %mul3A_219, %mul3A_221 : vector<16xf32>
        %broadcast_in_dim3A_223 = arith.constant 7 : i32
        %broadcast_in_dim3A_224 = vector.broadcast %broadcast_in_dim3A_223 : i32 to vector<16xi32>
        %gather3A_225 = tpu.vector_load_idx %arg8[%broadcast_in_dim3A_224, %get3A_160] : memref<16x4800xf32, #tpu.memory_space<vmem>>[vector<16xi32>, vector<16xi32>], vector<16xf32>,
        %mul3A_226 = arith.mulf %get3A_170, %gather3A_225 : vector<16xf32>
        %gather3A_227 = tpu.vector_load_idx %arg8[%broadcast_in_dim3A_224, %get3A_165] : memref<16x4800xf32, #tpu.memory_space<vmem>>[vector<16xi32>, vector<16xi32>], vector<16xf32>,
        %mul3A_228 = arith.mulf %get3A_175, %gather3A_227 : vector<16xf32>
        %add3A_229 = arith.addf %mul3A_226, %mul3A_228 : vector<16xf32>
        %broadcast_in_dim3A_230 = arith.constant 8 : i32
        %broadcast_in_dim3A_231 = vector.broadcast %broadcast_in_dim3A_230 : i32 to vector<16xi32>
        %gather3A_232 = tpu.vector_load_idx %arg8[%broadcast_in_dim3A_231, %get3A_160] : memref<16x4800xf32, #tpu.memory_space<vmem>>[vector<16xi32>, vector<16xi32>], vector<16xf32>,
        %mul3A_233 = arith.mulf %get3A_170, %gather3A_232 : vector<16xf32>
        %gather3A_234 = tpu.vector_load_idx %arg8[%broadcast_in_dim3A_231, %get3A_165] : memref<16x4800xf32, #tpu.memory_space<vmem>>[vector<16xi32>, vector<16xi32>], vector<16xf32>,
        %mul3A_235 = arith.mulf %get3A_175, %gather3A_234 : vector<16xf32>
        %add3A_236 = arith.addf %mul3A_233, %mul3A_235 : vector<16xf32>
        %broadcast_in_dim3A_237 = arith.constant 9 : i32
        %broadcast_in_dim3A_238 = vector.broadcast %broadcast_in_dim3A_237 : i32 to vector<16xi32>
        %gather3A_239 = tpu.vector_load_idx %arg8[%broadcast_in_dim3A_238, %get3A_160] : memref<16x4800xf32, #tpu.memory_space<vmem>>[vector<16xi32>, vector<16xi32>], vector<16xf32>,
        %mul3A_240 = arith.mulf %get3A_170, %gather3A_239 : vector<16xf32>
        %gather3A_241 = tpu.vector_load_idx %arg8[%broadcast_in_dim3A_238, %get3A_165] : memref<16x4800xf32, #tpu.memory_space<vmem>>[vector<16xi32>, vector<16xi32>], vector<16xf32>,
        %mul3A_242 = arith.mulf %get3A_175, %gather3A_241 : vector<16xf32>
        %add3A_243 = arith.addf %mul3A_240, %mul3A_242 : vector<16xf32>
        %broadcast_in_dim3A_244 = arith.constant 10 : i32
        %broadcast_in_dim3A_245 = vector.broadcast %broadcast_in_dim3A_244 : i32 to vector<16xi32>
        %gather3A_246 = tpu.vector_load_idx %arg8[%broadcast_in_dim3A_245, %get3A_160] : memref<16x4800xf32, #tpu.memory_space<vmem>>[vector<16xi32>, vector<16xi32>], vector<16xf32>,
        %mul3A_247 = arith.mulf %get3A_170, %gather3A_246 : vector<16xf32>
        %gather3A_248 = tpu.vector_load_idx %arg8[%broadcast_in_dim3A_245, %get3A_165] : memref<16x4800xf32, #tpu.memory_space<vmem>>[vector<16xi32>, vector<16xi32>], vector<16xf32>,
        %mul3A_249 = arith.mulf %get3A_175, %gather3A_248 : vector<16xf32>
        %add3A_250 = arith.addf %mul3A_247, %mul3A_249 : vector<16xf32>
        %broadcast_in_dim3A_251 = arith.constant 11 : i32
        %broadcast_in_dim3A_252 = vector.broadcast %broadcast_in_dim3A_251 : i32 to vector<16xi32>
        %gather3A_253 = tpu.vector_load_idx %arg8[%broadcast_in_dim3A_252, %get3A_160] : memref<16x4800xf32, #tpu.memory_space<vmem>>[vector<16xi32>, vector<16xi32>], vector<16xf32>,
        %mul3A_254 = arith.mulf %get3A_170, %gather3A_253 : vector<16xf32>
        %gather3A_255 = tpu.vector_load_idx %arg8[%broadcast_in_dim3A_252, %get3A_165] : memref<16x4800xf32, #tpu.memory_space<vmem>>[vector<16xi32>, vector<16xi32>], vector<16xf32>,
        %mul3A_256 = arith.mulf %get3A_175, %gather3A_255 : vector<16xf32>
        %add3A_257 = arith.addf %mul3A_254, %mul3A_256 : vector<16xf32>
        %broadcast_in_dim3A_258 = arith.constant 12 : i32
        %broadcast_in_dim3A_259 = vector.broadcast %broadcast_in_dim3A_258 : i32 to vector<16xi32>
        %gather3A_260 = tpu.vector_load_idx %arg8[%broadcast_in_dim3A_259, %get3A_160] : memref<16x4800xf32, #tpu.memory_space<vmem>>[vector<16xi32>, vector<16xi32>], vector<16xf32>,
        %mul3A_261 = arith.mulf %get3A_170, %gather3A_260 : vector<16xf32>
        %gather3A_262 = tpu.vector_load_idx %arg8[%broadcast_in_dim3A_259, %get3A_165] : memref<16x4800xf32, #tpu.memory_space<vmem>>[vector<16xi32>, vector<16xi32>], vector<16xf32>,
        %mul3A_263 = arith.mulf %get3A_175, %gather3A_262 : vector<16xf32>
        %add3A_264 = arith.addf %mul3A_261, %mul3A_263 : vector<16xf32>
        %broadcast_in_dim3A_265 = arith.constant 13 : i32
        %broadcast_in_dim3A_266 = vector.broadcast %broadcast_in_dim3A_265 : i32 to vector<16xi32>
        %gather3A_267 = tpu.vector_load_idx %arg8[%broadcast_in_dim3A_266, %get3A_160] : memref<16x4800xf32, #tpu.memory_space<vmem>>[vector<16xi32>, vector<16xi32>], vector<16xf32>,
        %mul3A_268 = arith.mulf %get3A_170, %gather3A_267 : vector<16xf32>
        %gather3A_269 = tpu.vector_load_idx %arg8[%broadcast_in_dim3A_266, %get3A_165] : memref<16x4800xf32, #tpu.memory_space<vmem>>[vector<16xi32>, vector<16xi32>], vector<16xf32>,
        %mul3A_270 = arith.mulf %get3A_175, %gather3A_269 : vector<16xf32>
        %add3A_271 = arith.addf %mul3A_268, %mul3A_270 : vector<16xf32>
        %broadcast_in_dim3A_272 = arith.constant 14 : i32
        %broadcast_in_dim3A_273 = vector.broadcast %broadcast_in_dim3A_272 : i32 to vector<16xi32>
        %gather3A_274 = tpu.vector_load_idx %arg8[%broadcast_in_dim3A_273, %get3A_160] : memref<16x4800xf32, #tpu.memory_space<vmem>>[vector<16xi32>, vector<16xi32>], vector<16xf32>,
        %mul3A_275 = arith.mulf %get3A_170, %gather3A_274 : vector<16xf32>
        %gather3A_276 = tpu.vector_load_idx %arg8[%broadcast_in_dim3A_273, %get3A_165] : memref<16x4800xf32, #tpu.memory_space<vmem>>[vector<16xi32>, vector<16xi32>], vector<16xf32>,
        %mul3A_277 = arith.mulf %get3A_175, %gather3A_276 : vector<16xf32>
        %add3A_278 = arith.addf %mul3A_275, %mul3A_277 : vector<16xf32>
        %broadcast_in_dim3A_279 = arith.constant 15 : i32
        %broadcast_in_dim3A_280 = vector.broadcast %broadcast_in_dim3A_279 : i32 to vector<16xi32>
        %gather3A_281 = tpu.vector_load_idx %arg8[%broadcast_in_dim3A_280, %get3A_160] : memref<16x4800xf32, #tpu.memory_space<vmem>>[vector<16xi32>, vector<16xi32>], vector<16xf32>,
        %mul3A_282 = arith.mulf %get3A_170, %gather3A_281 : vector<16xf32>
        %gather3A_283 = tpu.vector_load_idx %arg8[%broadcast_in_dim3A_280, %get3A_165] : memref<16x4800xf32, #tpu.memory_space<vmem>>[vector<16xi32>, vector<16xi32>], vector<16xf32>,
        %mul3A_284 = arith.mulf %get3A_175, %gather3A_283 : vector<16xf32>
        %add3A_285 = arith.addf %mul3A_282, %mul3A_284 : vector<16xf32>
        %mul3A_286 = arith.constant 2 : i32
        %mul3A_287 = arith.muli %scan3A_150, %mul3A_286 : i32
        %add3A_288 = arith.constant 1 : i32
        %add3A_289 = arith.addi %mul3A_287, %add3A_288 : i32
        %mul3A_290 = arith.constant 16 : i32
        %mul3A_291 = arith.muli %add3A_289, %mul3A_290 : i32
        %get3A_292 = arith.constant 0 : i32
        %get3A_293 = arith.index_cast %rem3A_85 : i32 to index
        %get3A_294 = arith.index_cast %get3A_292 : i32 to index
        %get3A_295 = arith.index_cast %mul3A_291 : i32 to index
        %get3A_296 = tpu.vector_load %arg9[%get3A_293, %get3A_294, %get3A_295] {strides = array<i32>} : memref<2x2x576xi32, #tpu.memory_space<vmem>>, vector<16xi32>,
        %get3A_297 = arith.constant 1 : i32
        %get3A_298 = arith.index_cast %rem3A_85 : i32 to index
        %get3A_299 = arith.index_cast %get3A_297 : i32 to index
        %get3A_300 = arith.index_cast %mul3A_291 : i32 to index
        %get3A_301 = tpu.vector_load %arg9[%get3A_298, %get3A_299, %get3A_300] {strides = array<i32>} : memref<2x2x576xi32, #tpu.memory_space<vmem>>, vector<16xi32>,
        %get3A_302 = arith.constant 0 : i32
        %get3A_303 = arith.index_cast %rem3A_85 : i32 to index
        %get3A_304 = arith.index_cast %get3A_302 : i32 to index
        %get3A_305 = arith.index_cast %mul3A_291 : i32 to index
        %get3A_306 = tpu.vector_load %arg10[%get3A_303, %get3A_304, %get3A_305] {strides = array<i32>} : memref<2x2x576xf32, #tpu.memory_space<vmem>>, vector<16xf32>,
        %get3A_307 = arith.constant 1 : i32
        %get3A_308 = arith.index_cast %rem3A_85 : i32 to index
        %get3A_309 = arith.index_cast %get3A_307 : i32 to index
        %get3A_310 = arith.index_cast %mul3A_291 : i32 to index
        %get3A_311 = tpu.vector_load %arg10[%get3A_308, %get3A_309, %get3A_310] {strides = array<i32>} : memref<2x2x576xf32, #tpu.memory_space<vmem>>, vector<16xf32>,
        %broadcast_in_dim3A_312 = arith.constant 0 : i32
        %broadcast_in_dim3A_313 = vector.broadcast %broadcast_in_dim3A_312 : i32 to vector<16xi32>
        %gather3A_314 = tpu.vector_load_idx %arg8[%broadcast_in_dim3A_313, %get3A_296] : memref<16x4800xf32, #tpu.memory_space<vmem>>[vector<16xi32>, vector<16xi32>], vector<16xf32>,
        %mul3A_315 = arith.mulf %get3A_306, %gather3A_314 : vector<16xf32>
        %gather3A_316 = tpu.vector_load_idx %arg8[%broadcast_in_dim3A_313, %get3A_301] : memref<16x4800xf32, #tpu.memory_space<vmem>>[vector<16xi32>, vector<16xi32>], vector<16xf32>,
        %mul3A_317 = arith.mulf %get3A_311, %gather3A_316 : vector<16xf32>
        %add3A_318 = arith.addf %mul3A_315, %mul3A_317 : vector<16xf32>
        %broadcast_in_dim3A_319 = arith.constant 1 : i32
        %broadcast_in_dim3A_320 = vector.broadcast %broadcast_in_dim3A_319 : i32 to vector<16xi32>
        %gather3A_321 = tpu.vector_load_idx %arg8[%broadcast_in_dim3A_320, %get3A_296] : memref<16x4800xf32, #tpu.memory_space<vmem>>[vector<16xi32>, vector<16xi32>], vector<16xf32>,
        %mul3A_322 = arith.mulf %get3A_306, %gather3A_321 : vector<16xf32>
        %gather3A_323 = tpu.vector_load_idx %arg8[%broadcast_in_dim3A_320, %get3A_301] : memref<16x4800xf32, #tpu.memory_space<vmem>>[vector<16xi32>, vector<16xi32>], vector<16xf32>,
        %mul3A_324 = arith.mulf %get3A_311, %gather3A_323 : vector<16xf32>
        %add3A_325 = arith.addf %mul3A_322, %mul3A_324 : vector<16xf32>
        %broadcast_in_dim3A_326 = arith.constant 2 : i32
        %broadcast_in_dim3A_327 = vector.broadcast %broadcast_in_dim3A_326 : i32 to vector<16xi32>
        %gather3A_328 = tpu.vector_load_idx %arg8[%broadcast_in_dim3A_327, %get3A_296] : memref<16x4800xf32, #tpu.memory_space<vmem>>[vector<16xi32>, vector<16xi32>], vector<16xf32>,
        %mul3A_329 = arith.mulf %get3A_306, %gather3A_328 : vector<16xf32>
        %gather3A_330 = tpu.vector_load_idx %arg8[%broadcast_in_dim3A_327, %get3A_301] : memref<16x4800xf32, #tpu.memory_space<vmem>>[vector<16xi32>, vector<16xi32>], vector<16xf32>,
        %mul3A_331 = arith.mulf %get3A_311, %gather3A_330 : vector<16xf32>
        %add3A_332 = arith.addf %mul3A_329, %mul3A_331 : vector<16xf32>
        %broadcast_in_dim3A_333 = arith.constant 3 : i32
        %broadcast_in_dim3A_334 = vector.broadcast %broadcast_in_dim3A_333 : i32 to vector<16xi32>
        %gather3A_335 = tpu.vector_load_idx %arg8[%broadcast_in_dim3A_334, %get3A_296] : memref<16x4800xf32, #tpu.memory_space<vmem>>[vector<16xi32>, vector<16xi32>], vector<16xf32>,
        %mul3A_336 = arith.mulf %get3A_306, %gather3A_335 : vector<16xf32>
        %gather3A_337 = tpu.vector_load_idx %arg8[%broadcast_in_dim3A_334, %get3A_301] : memref<16x4800xf32, #tpu.memory_space<vmem>>[vector<16xi32>, vector<16xi32>], vector<16xf32>,
        %mul3A_338 = arith.mulf %get3A_311, %gather3A_337 : vector<16xf32>
        %add3A_339 = arith.addf %mul3A_336, %mul3A_338 : vector<16xf32>
        %broadcast_in_dim3A_340 = arith.constant 4 : i32
        %broadcast_in_dim3A_341 = vector.broadcast %broadcast_in_dim3A_340 : i32 to vector<16xi32>
        %gather3A_342 = tpu.vector_load_idx %arg8[%broadcast_in_dim3A_341, %get3A_296] : memref<16x4800xf32, #tpu.memory_space<vmem>>[vector<16xi32>, vector<16xi32>], vector<16xf32>,
        %mul3A_343 = arith.mulf %get3A_306, %gather3A_342 : vector<16xf32>
        %gather3A_344 = tpu.vector_load_idx %arg8[%broadcast_in_dim3A_341, %get3A_301] : memref<16x4800xf32, #tpu.memory_space<vmem>>[vector<16xi32>, vector<16xi32>], vector<16xf32>,
        %mul3A_345 = arith.mulf %get3A_311, %gather3A_344 : vector<16xf32>
        %add3A_346 = arith.addf %mul3A_343, %mul3A_345 : vector<16xf32>
        %broadcast_in_dim3A_347 = arith.constant 5 : i32
        %broadcast_in_dim3A_348 = vector.broadcast %broadcast_in_dim3A_347 : i32 to vector<16xi32>
        %gather3A_349 = tpu.vector_load_idx %arg8[%broadcast_in_dim3A_348, %get3A_296] : memref<16x4800xf32, #tpu.memory_space<vmem>>[vector<16xi32>, vector<16xi32>], vector<16xf32>,
        %mul3A_350 = arith.mulf %get3A_306, %gather3A_349 : vector<16xf32>
        %gather3A_351 = tpu.vector_load_idx %arg8[%broadcast_in_dim3A_348, %get3A_301] : memref<16x4800xf32, #tpu.memory_space<vmem>>[vector<16xi32>, vector<16xi32>], vector<16xf32>,
        %mul3A_352 = arith.mulf %get3A_311, %gather3A_351 : vector<16xf32>
        %add3A_353 = arith.addf %mul3A_350, %mul3A_352 : vector<16xf32>
        %broadcast_in_dim3A_354 = arith.constant 6 : i32
        %broadcast_in_dim3A_355 = vector.broadcast %broadcast_in_dim3A_354 : i32 to vector<16xi32>
        %gather3A_356 = tpu.vector_load_idx %arg8[%broadcast_in_dim3A_355, %get3A_296] : memref<16x4800xf32, #tpu.memory_space<vmem>>[vector<16xi32>, vector<16xi32>], vector<16xf32>,
        %mul3A_357 = arith.mulf %get3A_306, %gather3A_356 : vector<16xf32>
        %gather3A_358 = tpu.vector_load_idx %arg8[%broadcast_in_dim3A_355, %get3A_301] : memref<16x4800xf32, #tpu.memory_space<vmem>>[vector<16xi32>, vector<16xi32>], vector<16xf32>,
        %mul3A_359 = arith.mulf %get3A_311, %gather3A_358 : vector<16xf32>
        %add3A_360 = arith.addf %mul3A_357, %mul3A_359 : vector<16xf32>
        %broadcast_in_dim3A_361 = arith.constant 7 : i32
        %broadcast_in_dim3A_362 = vector.broadcast %broadcast_in_dim3A_361 : i32 to vector<16xi32>
        %gather3A_363 = tpu.vector_load_idx %arg8[%broadcast_in_dim3A_362, %get3A_296] : memref<16x4800xf32, #tpu.memory_space<vmem>>[vector<16xi32>, vector<16xi32>], vector<16xf32>,
        %mul3A_364 = arith.mulf %get3A_306, %gather3A_363 : vector<16xf32>
        %gather3A_365 = tpu.vector_load_idx %arg8[%broadcast_in_dim3A_362, %get3A_301] : memref<16x4800xf32, #tpu.memory_space<vmem>>[vector<16xi32>, vector<16xi32>], vector<16xf32>,
        %mul3A_366 = arith.mulf %get3A_311, %gather3A_365 : vector<16xf32>
        %add3A_367 = arith.addf %mul3A_364, %mul3A_366 : vector<16xf32>
        %broadcast_in_dim3A_368 = arith.constant 8 : i32
        %broadcast_in_dim3A_369 = vector.broadcast %broadcast_in_dim3A_368 : i32 to vector<16xi32>
        %gather3A_370 = tpu.vector_load_idx %arg8[%broadcast_in_dim3A_369, %get3A_296] : memref<16x4800xf32, #tpu.memory_space<vmem>>[vector<16xi32>, vector<16xi32>], vector<16xf32>,
        %mul3A_371 = arith.mulf %get3A_306, %gather3A_370 : vector<16xf32>
        %gather3A_372 = tpu.vector_load_idx %arg8[%broadcast_in_dim3A_369, %get3A_301] : memref<16x4800xf32, #tpu.memory_space<vmem>>[vector<16xi32>, vector<16xi32>], vector<16xf32>,
        %mul3A_373 = arith.mulf %get3A_311, %gather3A_372 : vector<16xf32>
        %add3A_374 = arith.addf %mul3A_371, %mul3A_373 : vector<16xf32>
        %broadcast_in_dim3A_375 = arith.constant 9 : i32
        %broadcast_in_dim3A_376 = vector.broadcast %broadcast_in_dim3A_375 : i32 to vector<16xi32>
        %gather3A_377 = tpu.vector_load_idx %arg8[%broadcast_in_dim3A_376, %get3A_296] : memref<16x4800xf32, #tpu.memory_space<vmem>>[vector<16xi32>, vector<16xi32>], vector<16xf32>,
        %mul3A_378 = arith.mulf %get3A_306, %gather3A_377 : vector<16xf32>
        %gather3A_379 = tpu.vector_load_idx %arg8[%broadcast_in_dim3A_376, %get3A_301] : memref<16x4800xf32, #tpu.memory_space<vmem>>[vector<16xi32>, vector<16xi32>], vector<16xf32>,
        %mul3A_380 = arith.mulf %get3A_311, %gather3A_379 : vector<16xf32>
        %add3A_381 = arith.addf %mul3A_378, %mul3A_380 : vector<16xf32>
        %broadcast_in_dim3A_382 = arith.constant 10 : i32
        %broadcast_in_dim3A_383 = vector.broadcast %broadcast_in_dim3A_382 : i32 to vector<16xi32>
        %gather3A_384 = tpu.vector_load_idx %arg8[%broadcast_in_dim3A_383, %get3A_296] : memref<16x4800xf32, #tpu.memory_space<vmem>>[vector<16xi32>, vector<16xi32>], vector<16xf32>,
        %mul3A_385 = arith.mulf %get3A_306, %gather3A_384 : vector<16xf32>
        %gather3A_386 = tpu.vector_load_idx %arg8[%broadcast_in_dim3A_383, %get3A_301] : memref<16x4800xf32, #tpu.memory_space<vmem>>[vector<16xi32>, vector<16xi32>], vector<16xf32>,
        %mul3A_387 = arith.mulf %get3A_311, %gather3A_386 : vector<16xf32>
        %add3A_388 = arith.addf %mul3A_385, %mul3A_387 : vector<16xf32>
        %broadcast_in_dim3A_389 = arith.constant 11 : i32
        %broadcast_in_dim3A_390 = vector.broadcast %broadcast_in_dim3A_389 : i32 to vector<16xi32>
        %gather3A_391 = tpu.vector_load_idx %arg8[%broadcast_in_dim3A_390, %get3A_296] : memref<16x4800xf32, #tpu.memory_space<vmem>>[vector<16xi32>, vector<16xi32>], vector<16xf32>,
        %mul3A_392 = arith.mulf %get3A_306, %gather3A_391 : vector<16xf32>
        %gather3A_393 = tpu.vector_load_idx %arg8[%broadcast_in_dim3A_390, %get3A_301] : memref<16x4800xf32, #tpu.memory_space<vmem>>[vector<16xi32>, vector<16xi32>], vector<16xf32>,
        %mul3A_394 = arith.mulf %get3A_311, %gather3A_393 : vector<16xf32>
        %add3A_395 = arith.addf %mul3A_392, %mul3A_394 : vector<16xf32>
        %broadcast_in_dim3A_396 = arith.constant 12 : i32
        %broadcast_in_dim3A_397 = vector.broadcast %broadcast_in_dim3A_396 : i32 to vector<16xi32>
        %gather3A_398 = tpu.vector_load_idx %arg8[%broadcast_in_dim3A_397, %get3A_296] : memref<16x4800xf32, #tpu.memory_space<vmem>>[vector<16xi32>, vector<16xi32>], vector<16xf32>,
        %mul3A_399 = arith.mulf %get3A_306, %gather3A_398 : vector<16xf32>
        %gather3A_400 = tpu.vector_load_idx %arg8[%broadcast_in_dim3A_397, %get3A_301] : memref<16x4800xf32, #tpu.memory_space<vmem>>[vector<16xi32>, vector<16xi32>], vector<16xf32>,
        %mul3A_401 = arith.mulf %get3A_311, %gather3A_400 : vector<16xf32>
        %add3A_402 = arith.addf %mul3A_399, %mul3A_401 : vector<16xf32>
        %broadcast_in_dim3A_403 = arith.constant 13 : i32
        %broadcast_in_dim3A_404 = vector.broadcast %broadcast_in_dim3A_403 : i32 to vector<16xi32>
        %gather3A_405 = tpu.vector_load_idx %arg8[%broadcast_in_dim3A_404, %get3A_296] : memref<16x4800xf32, #tpu.memory_space<vmem>>[vector<16xi32>, vector<16xi32>], vector<16xf32>,
        %mul3A_406 = arith.mulf %get3A_306, %gather3A_405 : vector<16xf32>
        %gather3A_407 = tpu.vector_load_idx %arg8[%broadcast_in_dim3A_404, %get3A_301] : memref<16x4800xf32, #tpu.memory_space<vmem>>[vector<16xi32>, vector<16xi32>], vector<16xf32>,
        %mul3A_408 = arith.mulf %get3A_311, %gather3A_407 : vector<16xf32>
        %add3A_409 = arith.addf %mul3A_406, %mul3A_408 : vector<16xf32>
        %broadcast_in_dim3A_410 = arith.constant 14 : i32
        %broadcast_in_dim3A_411 = vector.broadcast %broadcast_in_dim3A_410 : i32 to vector<16xi32>
        %gather3A_412 = tpu.vector_load_idx %arg8[%broadcast_in_dim3A_411, %get3A_296] : memref<16x4800xf32, #tpu.memory_space<vmem>>[vector<16xi32>, vector<16xi32>], vector<16xf32>,
        %mul3A_413 = arith.mulf %get3A_306, %gather3A_412 : vector<16xf32>
        %gather3A_414 = tpu.vector_load_idx %arg8[%broadcast_in_dim3A_411, %get3A_301] : memref<16x4800xf32, #tpu.memory_space<vmem>>[vector<16xi32>, vector<16xi32>], vector<16xf32>,
        %mul3A_415 = arith.mulf %get3A_311, %gather3A_414 : vector<16xf32>
        %add3A_416 = arith.addf %mul3A_413, %mul3A_415 : vector<16xf32>
        %broadcast_in_dim3A_417 = arith.constant 15 : i32
        %broadcast_in_dim3A_418 = vector.broadcast %broadcast_in_dim3A_417 : i32 to vector<16xi32>
        %gather3A_419 = tpu.vector_load_idx %arg8[%broadcast_in_dim3A_418, %get3A_296] : memref<16x4800xf32, #tpu.memory_space<vmem>>[vector<16xi32>, vector<16xi32>], vector<16xf32>,
        %mul3A_420 = arith.mulf %get3A_306, %gather3A_419 : vector<16xf32>
        %gather3A_421 = tpu.vector_load_idx %arg8[%broadcast_in_dim3A_418, %get3A_301] : memref<16x4800xf32, #tpu.memory_space<vmem>>[vector<16xi32>, vector<16xi32>], vector<16xf32>,
        %mul3A_422 = arith.mulf %get3A_311, %gather3A_421 : vector<16xf32>
        %add3A_423 = arith.addf %mul3A_420, %mul3A_422 : vector<16xf32>
        %mul3A_424 = arith.constant 2 : i32
        %mul3A_425 = arith.muli %scan3A_150, %mul3A_424 : i32
        %add3A_426 = arith.constant 0 : i32
        %add3A_427 = arith.addi %mul3A_425, %add3A_426 : i32
        %mul3A_428 = arith.constant 16 : i32
        %mul3A_429 = arith.muli %add3A_427, %mul3A_428 : i32
        %swap3A = arith.constant 0 : i32
        %swap3A_430 = arith.index_cast %rem3A_85 : i32 to index
        %swap3A_431 = arith.index_cast %swap3A : i32 to index
        %swap3A_432 = arith.index_cast %mul3A_429 : i32 to index
        %swap3A_433 = tpu.vector_load %arg11[%swap3A_430, %swap3A_431, %swap3A_432] {strides = array<i32>} : memref<2x16x576xf32, #tpu.memory_space<vmem>>, vector<16xf32>,
        tpu.vector_store %arg11[%swap3A_430, %swap3A_431, %swap3A_432], %add3A_180 {strides = array<i32>} : memref<2x16x576xf32, #tpu.memory_space<vmem>>, vector<16xf32>,
        %swap3A_434 = arith.constant 1 : i32
        %swap3A_435 = arith.index_cast %rem3A_85 : i32 to index
        %swap3A_436 = arith.index_cast %swap3A_434 : i32 to index
        %swap3A_437 = arith.index_cast %mul3A_429 : i32 to index
        %swap3A_438 = tpu.vector_load %arg11[%swap3A_435, %swap3A_436, %swap3A_437] {strides = array<i32>} : memref<2x16x576xf32, #tpu.memory_space<vmem>>, vector<16xf32>,
        tpu.vector_store %arg11[%swap3A_435, %swap3A_436, %swap3A_437], %add3A_187 {strides = array<i32>} : memref<2x16x576xf32, #tpu.memory_space<vmem>>, vector<16xf32>,
        %swap3A_439 = arith.constant 2 : i32
        %swap3A_440 = arith.index_cast %rem3A_85 : i32 to index
        %swap3A_441 = arith.index_cast %swap3A_439 : i32 to index
        %swap3A_442 = arith.index_cast %mul3A_429 : i32 to index
        %swap3A_443 = tpu.vector_load %arg11[%swap3A_440, %swap3A_441, %swap3A_442] {strides = array<i32>} : memref<2x16x576xf32, #tpu.memory_space<vmem>>, vector<16xf32>,
        tpu.vector_store %arg11[%swap3A_440, %swap3A_441, %swap3A_442], %add3A_194 {strides = array<i32>} : memref<2x16x576xf32, #tpu.memory_space<vmem>>, vector<16xf32>,
        %swap3A_444 = arith.constant 3 : i32
        %swap3A_445 = arith.index_cast %rem3A_85 : i32 to index
        %swap3A_446 = arith.index_cast %swap3A_444 : i32 to index
        %swap3A_447 = arith.index_cast %mul3A_429 : i32 to index
        %swap3A_448 = tpu.vector_load %arg11[%swap3A_445, %swap3A_446, %swap3A_447] {strides = array<i32>} : memref<2x16x576xf32, #tpu.memory_space<vmem>>, vector<16xf32>,
        tpu.vector_store %arg11[%swap3A_445, %swap3A_446, %swap3A_447], %add3A_201 {strides = array<i32>} : memref<2x16x576xf32, #tpu.memory_space<vmem>>, vector<16xf32>,
        %swap3A_449 = arith.constant 4 : i32
        %swap3A_450 = arith.index_cast %rem3A_85 : i32 to index
        %swap3A_451 = arith.index_cast %swap3A_449 : i32 to index
        %swap3A_452 = arith.index_cast %mul3A_429 : i32 to index
        %swap3A_453 = tpu.vector_load %arg11[%swap3A_450, %swap3A_451, %swap3A_452] {strides = array<i32>} : memref<2x16x576xf32, #tpu.memory_space<vmem>>, vector<16xf32>,
        tpu.vector_store %arg11[%swap3A_450, %swap3A_451, %swap3A_452], %add3A_208 {strides = array<i32>} : memref<2x16x576xf32, #tpu.memory_space<vmem>>, vector<16xf32>,
        %swap3A_454 = arith.constant 5 : i32
        %swap3A_455 = arith.index_cast %rem3A_85 : i32 to index
        %swap3A_456 = arith.index_cast %swap3A_454 : i32 to index
        %swap3A_457 = arith.index_cast %mul3A_429 : i32 to index
        %swap3A_458 = tpu.vector_load %arg11[%swap3A_455, %swap3A_456, %swap3A_457] {strides = array<i32>} : memref<2x16x576xf32, #tpu.memory_space<vmem>>, vector<16xf32>,
        tpu.vector_store %arg11[%swap3A_455, %swap3A_456, %swap3A_457], %add3A_215 {strides = array<i32>} : memref<2x16x576xf32, #tpu.memory_space<vmem>>, vector<16xf32>,
        %swap3A_459 = arith.constant 6 : i32
        %swap3A_460 = arith.index_cast %rem3A_85 : i32 to index
        %swap3A_461 = arith.index_cast %swap3A_459 : i32 to index
        %swap3A_462 = arith.index_cast %mul3A_429 : i32 to index
        %swap3A_463 = tpu.vector_load %arg11[%swap3A_460, %swap3A_461, %swap3A_462] {strides = array<i32>} : memref<2x16x576xf32, #tpu.memory_space<vmem>>, vector<16xf32>,
        tpu.vector_store %arg11[%swap3A_460, %swap3A_461, %swap3A_462], %add3A_222 {strides = array<i32>} : memref<2x16x576xf32, #tpu.memory_space<vmem>>, vector<16xf32>,
        %swap3A_464 = arith.constant 7 : i32
        %swap3A_465 = arith.index_cast %rem3A_85 : i32 to index
        %swap3A_466 = arith.index_cast %swap3A_464 : i32 to index
        %swap3A_467 = arith.index_cast %mul3A_429 : i32 to index
        %swap3A_468 = tpu.vector_load %arg11[%swap3A_465, %swap3A_466, %swap3A_467] {strides = array<i32>} : memref<2x16x576xf32, #tpu.memory_space<vmem>>, vector<16xf32>,
        tpu.vector_store %arg11[%swap3A_465, %swap3A_466, %swap3A_467], %add3A_229 {strides = array<i32>} : memref<2x16x576xf32, #tpu.memory_space<vmem>>, vector<16xf32>,
        %swap3A_469 = arith.constant 8 : i32
        %swap3A_470 = arith.index_cast %rem3A_85 : i32 to index
        %swap3A_471 = arith.index_cast %swap3A_469 : i32 to index
        %swap3A_472 = arith.index_cast %mul3A_429 : i32 to index
        %swap3A_473 = tpu.vector_load %arg11[%swap3A_470, %swap3A_471, %swap3A_472] {strides = array<i32>} : memref<2x16x576xf32, #tpu.memory_space<vmem>>, vector<16xf32>,
        tpu.vector_store %arg11[%swap3A_470, %swap3A_471, %swap3A_472], %add3A_236 {strides = array<i32>} : memref<2x16x576xf32, #tpu.memory_space<vmem>>, vector<16xf32>,
        %swap3A_474 = arith.constant 9 : i32
        %swap3A_475 = arith.index_cast %rem3A_85 : i32 to index
        %swap3A_476 = arith.index_cast %swap3A_474 : i32 to index
        %swap3A_477 = arith.index_cast %mul3A_429 : i32 to index
        %swap3A_478 = tpu.vector_load %arg11[%swap3A_475, %swap3A_476, %swap3A_477] {strides = array<i32>} : memref<2x16x576xf32, #tpu.memory_space<vmem>>, vector<16xf32>,
        tpu.vector_store %arg11[%swap3A_475, %swap3A_476, %swap3A_477], %add3A_243 {strides = array<i32>} : memref<2x16x576xf32, #tpu.memory_space<vmem>>, vector<16xf32>,
        %swap3A_479 = arith.constant 10 : i32
        %swap3A_480 = arith.index_cast %rem3A_85 : i32 to index
        %swap3A_481 = arith.index_cast %swap3A_479 : i32 to index
        %swap3A_482 = arith.index_cast %mul3A_429 : i32 to index
        %swap3A_483 = tpu.vector_load %arg11[%swap3A_480, %swap3A_481, %swap3A_482] {strides = array<i32>} : memref<2x16x576xf32, #tpu.memory_space<vmem>>, vector<16xf32>,
        tpu.vector_store %arg11[%swap3A_480, %swap3A_481, %swap3A_482], %add3A_250 {strides = array<i32>} : memref<2x16x576xf32, #tpu.memory_space<vmem>>, vector<16xf32>,
        %swap3A_484 = arith.constant 11 : i32
        %swap3A_485 = arith.index_cast %rem3A_85 : i32 to index
        %swap3A_486 = arith.index_cast %swap3A_484 : i32 to index
        %swap3A_487 = arith.index_cast %mul3A_429 : i32 to index
        %swap3A_488 = tpu.vector_load %arg11[%swap3A_485, %swap3A_486, %swap3A_487] {strides = array<i32>} : memref<2x16x576xf32, #tpu.memory_space<vmem>>, vector<16xf32>,
        tpu.vector_store %arg11[%swap3A_485, %swap3A_486, %swap3A_487], %add3A_257 {strides = array<i32>} : memref<2x16x576xf32, #tpu.memory_space<vmem>>, vector<16xf32>,
        %swap3A_489 = arith.constant 12 : i32
        %swap3A_490 = arith.index_cast %rem3A_85 : i32 to index
        %swap3A_491 = arith.index_cast %swap3A_489 : i32 to index
        %swap3A_492 = arith.index_cast %mul3A_429 : i32 to index
        %swap3A_493 = tpu.vector_load %arg11[%swap3A_490, %swap3A_491, %swap3A_492] {strides = array<i32>} : memref<2x16x576xf32, #tpu.memory_space<vmem>>, vector<16xf32>,
        tpu.vector_store %arg11[%swap3A_490, %swap3A_491, %swap3A_492], %add3A_264 {strides = array<i32>} : memref<2x16x576xf32, #tpu.memory_space<vmem>>, vector<16xf32>,
        %swap3A_494 = arith.constant 13 : i32
        %swap3A_495 = arith.index_cast %rem3A_85 : i32 to index
        %swap3A_496 = arith.index_cast %swap3A_494 : i32 to index
        %swap3A_497 = arith.index_cast %mul3A_429 : i32 to index
        %swap3A_498 = tpu.vector_load %arg11[%swap3A_495, %swap3A_496, %swap3A_497] {strides = array<i32>} : memref<2x16x576xf32, #tpu.memory_space<vmem>>, vector<16xf32>,
        tpu.vector_store %arg11[%swap3A_495, %swap3A_496, %swap3A_497], %add3A_271 {strides = array<i32>} : memref<2x16x576xf32, #tpu.memory_space<vmem>>, vector<16xf32>,
        %swap3A_499 = arith.constant 14 : i32
        %swap3A_500 = arith.index_cast %rem3A_85 : i32 to index
        %swap3A_501 = arith.index_cast %swap3A_499 : i32 to index
        %swap3A_502 = arith.index_cast %mul3A_429 : i32 to index
        %swap3A_503 = tpu.vector_load %arg11[%swap3A_500, %swap3A_501, %swap3A_502] {strides = array<i32>} : memref<2x16x576xf32, #tpu.memory_space<vmem>>, vector<16xf32>,
        tpu.vector_store %arg11[%swap3A_500, %swap3A_501, %swap3A_502], %add3A_278 {strides = array<i32>} : memref<2x16x576xf32, #tpu.memory_space<vmem>>, vector<16xf32>,
        %swap3A_504 = arith.constant 15 : i32
        %swap3A_505 = arith.index_cast %rem3A_85 : i32 to index
        %swap3A_506 = arith.index_cast %swap3A_504 : i32 to index
        %swap3A_507 = arith.index_cast %mul3A_429 : i32 to index
        %swap3A_508 = tpu.vector_load %arg11[%swap3A_505, %swap3A_506, %swap3A_507] {strides = array<i32>} : memref<2x16x576xf32, #tpu.memory_space<vmem>>, vector<16xf32>,
        tpu.vector_store %arg11[%swap3A_505, %swap3A_506, %swap3A_507], %add3A_285 {strides = array<i32>} : memref<2x16x576xf32, #tpu.memory_space<vmem>>, vector<16xf32>,
        %mul3A_509 = arith.constant 2 : i32
        %mul3A_510 = arith.muli %scan3A_150, %mul3A_509 : i32
        %add3A_511 = arith.constant 1 : i32
        %add3A_512 = arith.addi %mul3A_510, %add3A_511 : i32
        %mul3A_513 = arith.constant 16 : i32
        %mul3A_514 = arith.muli %add3A_512, %mul3A_513 : i32
        %swap3A_515 = arith.constant 0 : i32
        %swap3A_516 = arith.index_cast %rem3A_85 : i32 to index
        %swap3A_517 = arith.index_cast %swap3A_515 : i32 to index
        %swap3A_518 = arith.index_cast %mul3A_514 : i32 to index
        %swap3A_519 = tpu.vector_load %arg11[%swap3A_516, %swap3A_517, %swap3A_518] {strides = array<i32>} : memref<2x16x576xf32, #tpu.memory_space<vmem>>, vector<16xf32>,
        tpu.vector_store %arg11[%swap3A_516, %swap3A_517, %swap3A_518], %add3A_318 {strides = array<i32>} : memref<2x16x576xf32, #tpu.memory_space<vmem>>, vector<16xf32>,
        %swap3A_520 = arith.constant 1 : i32
        %swap3A_521 = arith.index_cast %rem3A_85 : i32 to index
        %swap3A_522 = arith.index_cast %swap3A_520 : i32 to index
        %swap3A_523 = arith.index_cast %mul3A_514 : i32 to index
        %swap3A_524 = tpu.vector_load %arg11[%swap3A_521, %swap3A_522, %swap3A_523] {strides = array<i32>} : memref<2x16x576xf32, #tpu.memory_space<vmem>>, vector<16xf32>,
        tpu.vector_store %arg11[%swap3A_521, %swap3A_522, %swap3A_523], %add3A_325 {strides = array<i32>} : memref<2x16x576xf32, #tpu.memory_space<vmem>>, vector<16xf32>,
        %swap3A_525 = arith.constant 2 : i32
        %swap3A_526 = arith.index_cast %rem3A_85 : i32 to index
        %swap3A_527 = arith.index_cast %swap3A_525 : i32 to index
        %swap3A_528 = arith.index_cast %mul3A_514 : i32 to index
        %swap3A_529 = tpu.vector_load %arg11[%swap3A_526, %swap3A_527, %swap3A_528] {strides = array<i32>} : memref<2x16x576xf32, #tpu.memory_space<vmem>>, vector<16xf32>,
        tpu.vector_store %arg11[%swap3A_526, %swap3A_527, %swap3A_528], %add3A_332 {strides = array<i32>} : memref<2x16x576xf32, #tpu.memory_space<vmem>>, vector<16xf32>,
        %swap3A_530 = arith.constant 3 : i32
        %swap3A_531 = arith.index_cast %rem3A_85 : i32 to index
        %swap3A_532 = arith.index_cast %swap3A_530 : i32 to index
        %swap3A_533 = arith.index_cast %mul3A_514 : i32 to index
        %swap3A_534 = tpu.vector_load %arg11[%swap3A_531, %swap3A_532, %swap3A_533] {strides = array<i32>} : memref<2x16x576xf32, #tpu.memory_space<vmem>>, vector<16xf32>,
        tpu.vector_store %arg11[%swap3A_531, %swap3A_532, %swap3A_533], %add3A_339 {strides = array<i32>} : memref<2x16x576xf32, #tpu.memory_space<vmem>>, vector<16xf32>,
        %swap3A_535 = arith.constant 4 : i32
        %swap3A_536 = arith.index_cast %rem3A_85 : i32 to index
        %swap3A_537 = arith.index_cast %swap3A_535 : i32 to index
        %swap3A_538 = arith.index_cast %mul3A_514 : i32 to index
        %swap3A_539 = tpu.vector_load %arg11[%swap3A_536, %swap3A_537, %swap3A_538] {strides = array<i32>} : memref<2x16x576xf32, #tpu.memory_space<vmem>>, vector<16xf32>,
        tpu.vector_store %arg11[%swap3A_536, %swap3A_537, %swap3A_538], %add3A_346 {strides = array<i32>} : memref<2x16x576xf32, #tpu.memory_space<vmem>>, vector<16xf32>,
        %swap3A_540 = arith.constant 5 : i32
        %swap3A_541 = arith.index_cast %rem3A_85 : i32 to index
        %swap3A_542 = arith.index_cast %swap3A_540 : i32 to index
        %swap3A_543 = arith.index_cast %mul3A_514 : i32 to index
        %swap3A_544 = tpu.vector_load %arg11[%swap3A_541, %swap3A_542, %swap3A_543] {strides = array<i32>} : memref<2x16x576xf32, #tpu.memory_space<vmem>>, vector<16xf32>,
        tpu.vector_store %arg11[%swap3A_541, %swap3A_542, %swap3A_543], %add3A_353 {strides = array<i32>} : memref<2x16x576xf32, #tpu.memory_space<vmem>>, vector<16xf32>,
        %swap3A_545 = arith.constant 6 : i32
        %swap3A_546 = arith.index_cast %rem3A_85 : i32 to index
        %swap3A_547 = arith.index_cast %swap3A_545 : i32 to index
        %swap3A_548 = arith.index_cast %mul3A_514 : i32 to index
        %swap3A_549 = tpu.vector_load %arg11[%swap3A_546, %swap3A_547, %swap3A_548] {strides = array<i32>} : memref<2x16x576xf32, #tpu.memory_space<vmem>>, vector<16xf32>,
        tpu.vector_store %arg11[%swap3A_546, %swap3A_547, %swap3A_548], %add3A_360 {strides = array<i32>} : memref<2x16x576xf32, #tpu.memory_space<vmem>>, vector<16xf32>,
        %swap3A_550 = arith.constant 7 : i32
        %swap3A_551 = arith.index_cast %rem3A_85 : i32 to index
        %swap3A_552 = arith.index_cast %swap3A_550 : i32 to index
        %swap3A_553 = arith.index_cast %mul3A_514 : i32 to index
        %swap3A_554 = tpu.vector_load %arg11[%swap3A_551, %swap3A_552, %swap3A_553] {strides = array<i32>} : memref<2x16x576xf32, #tpu.memory_space<vmem>>, vector<16xf32>,
        tpu.vector_store %arg11[%swap3A_551, %swap3A_552, %swap3A_553], %add3A_367 {strides = array<i32>} : memref<2x16x576xf32, #tpu.memory_space<vmem>>, vector<16xf32>,
        %swap3A_555 = arith.constant 8 : i32
        %swap3A_556 = arith.index_cast %rem3A_85 : i32 to index
        %swap3A_557 = arith.index_cast %swap3A_555 : i32 to index
        %swap3A_558 = arith.index_cast %mul3A_514 : i32 to index
        %swap3A_559 = tpu.vector_load %arg11[%swap3A_556, %swap3A_557, %swap3A_558] {strides = array<i32>} : memref<2x16x576xf32, #tpu.memory_space<vmem>>, vector<16xf32>,
        tpu.vector_store %arg11[%swap3A_556, %swap3A_557, %swap3A_558], %add3A_374 {strides = array<i32>} : memref<2x16x576xf32, #tpu.memory_space<vmem>>, vector<16xf32>,
        %swap3A_560 = arith.constant 9 : i32
        %swap3A_561 = arith.index_cast %rem3A_85 : i32 to index
        %swap3A_562 = arith.index_cast %swap3A_560 : i32 to index
        %swap3A_563 = arith.index_cast %mul3A_514 : i32 to index
        %swap3A_564 = tpu.vector_load %arg11[%swap3A_561, %swap3A_562, %swap3A_563] {strides = array<i32>} : memref<2x16x576xf32, #tpu.memory_space<vmem>>, vector<16xf32>,
        tpu.vector_store %arg11[%swap3A_561, %swap3A_562, %swap3A_563], %add3A_381 {strides = array<i32>} : memref<2x16x576xf32, #tpu.memory_space<vmem>>, vector<16xf32>,
        %swap3A_565 = arith.constant 10 : i32
        %swap3A_566 = arith.index_cast %rem3A_85 : i32 to index
        %swap3A_567 = arith.index_cast %swap3A_565 : i32 to index
        %swap3A_568 = arith.index_cast %mul3A_514 : i32 to index
        %swap3A_569 = tpu.vector_load %arg11[%swap3A_566, %swap3A_567, %swap3A_568] {strides = array<i32>} : memref<2x16x576xf32, #tpu.memory_space<vmem>>, vector<16xf32>,
        tpu.vector_store %arg11[%swap3A_566, %swap3A_567, %swap3A_568], %add3A_388 {strides = array<i32>} : memref<2x16x576xf32, #tpu.memory_space<vmem>>, vector<16xf32>,
        %swap3A_570 = arith.constant 11 : i32
        %swap3A_571 = arith.index_cast %rem3A_85 : i32 to index
        %swap3A_572 = arith.index_cast %swap3A_570 : i32 to index
        %swap3A_573 = arith.index_cast %mul3A_514 : i32 to index
        %swap3A_574 = tpu.vector_load %arg11[%swap3A_571, %swap3A_572, %swap3A_573] {strides = array<i32>} : memref<2x16x576xf32, #tpu.memory_space<vmem>>, vector<16xf32>,
        tpu.vector_store %arg11[%swap3A_571, %swap3A_572, %swap3A_573], %add3A_395 {strides = array<i32>} : memref<2x16x576xf32, #tpu.memory_space<vmem>>, vector<16xf32>,
        %swap3A_575 = arith.constant 12 : i32
        %swap3A_576 = arith.index_cast %rem3A_85 : i32 to index
        %swap3A_577 = arith.index_cast %swap3A_575 : i32 to index
        %swap3A_578 = arith.index_cast %mul3A_514 : i32 to index
        %swap3A_579 = tpu.vector_load %arg11[%swap3A_576, %swap3A_577, %swap3A_578] {strides = array<i32>} : memref<2x16x576xf32, #tpu.memory_space<vmem>>, vector<16xf32>,
        tpu.vector_store %arg11[%swap3A_576, %swap3A_577, %swap3A_578], %add3A_402 {strides = array<i32>} : memref<2x16x576xf32, #tpu.memory_space<vmem>>, vector<16xf32>,
        %swap3A_580 = arith.constant 13 : i32
        %swap3A_581 = arith.index_cast %rem3A_85 : i32 to index
        %swap3A_582 = arith.index_cast %swap3A_580 : i32 to index
        %swap3A_583 = arith.index_cast %mul3A_514 : i32 to index
        %swap3A_584 = tpu.vector_load %arg11[%swap3A_581, %swap3A_582, %swap3A_583] {strides = array<i32>} : memref<2x16x576xf32, #tpu.memory_space<vmem>>, vector<16xf32>,
        tpu.vector_store %arg11[%swap3A_581, %swap3A_582, %swap3A_583], %add3A_409 {strides = array<i32>} : memref<2x16x576xf32, #tpu.memory_space<vmem>>, vector<16xf32>,
        %swap3A_585 = arith.constant 14 : i32
        %swap3A_586 = arith.index_cast %rem3A_85 : i32 to index
        %swap3A_587 = arith.index_cast %swap3A_585 : i32 to index
        %swap3A_588 = arith.index_cast %mul3A_514 : i32 to index
        %swap3A_589 = tpu.vector_load %arg11[%swap3A_586, %swap3A_587, %swap3A_588] {strides = array<i32>} : memref<2x16x576xf32, #tpu.memory_space<vmem>>, vector<16xf32>,
        tpu.vector_store %arg11[%swap3A_586, %swap3A_587, %swap3A_588], %add3A_416 {strides = array<i32>} : memref<2x16x576xf32, #tpu.memory_space<vmem>>, vector<16xf32>,
        %swap3A_590 = arith.constant 15 : i32
        %swap3A_591 = arith.index_cast %rem3A_85 : i32 to index
        %swap3A_592 = arith.index_cast %swap3A_590 : i32 to index
        %swap3A_593 = arith.index_cast %mul3A_514 : i32 to index
        %swap3A_594 = tpu.vector_load %arg11[%swap3A_591, %swap3A_592, %swap3A_593] {strides = array<i32>} : memref<2x16x576xf32, #tpu.memory_space<vmem>>, vector<16xf32>,
        tpu.vector_store %arg11[%swap3A_591, %swap3A_592, %swap3A_593], %add3A_423 {strides = array<i32>} : memref<2x16x576xf32, #tpu.memory_space<vmem>>, vector<16xf32>,
      }
      %scan3A_137 = arith.constant 18 : i32
      %mul3A_138 = arith.constant 576 : i32
      %mul3A_139 = arith.muli %scan3A_83, %mul3A_138 : i32
      %dma_start3A_140 = arith.constant 0 : i32
      %dma_start3A_141 = arith.constant 0 : i32
      %dma_start3A_142 = tpu.memref_slice %arg11[%rem3A_85, %dma_start3A_140, %dma_start3A_141] : memref<2x16x576xf32, #tpu.memory_space<vmem>> -> memref<1x16x576xf32, #tpu.memory_space<vmem>>
      %dma_start3A_143 = tpu.memref_squeeze %dma_start3A_142 : memref<1x16x576xf32, #tpu.memory_space<vmem>> -> memref<16x576xf32, #tpu.memory_space<vmem>>
      %dma_start3A_144 = tpu.memref_slice %arg7[%mul3A_2, %mul3A_139] : memref<512x129600xf32, #tpu.memory_space<hbm>> -> memref<16x576xf32, #tpu.memory_space<hbm>>
      %dma_start3A_145 = tpu.memref_slice %arg7[%mul3A_2, %mul3A_139] : memref<512x129600xf32, #tpu.memory_space<hbm>> -> memref<16x576xf32, #tpu.memory_space<hbm>>
      %dma_start3A_146 = arith.constant 0 : i32
      %dma_start3A_147 = arith.constant 0 : i32
      %dma_start3A_148 = tpu.memref_slice %arg11[%rem3A_85, %dma_start3A_146, %dma_start3A_147] : memref<2x16x576xf32, #tpu.memory_space<vmem>> -> memref<1x16x576xf32, #tpu.memory_space<vmem>>
      %dma_start3A_149 = tpu.memref_squeeze %dma_start3A_148 : memref<1x16x576xf32, #tpu.memory_space<vmem>> -> memref<16x576xf32, #tpu.memory_space<vmem>>
      tpu.enqueue_dma source(%dma_start3A_149 : memref<16x576xf32, #tpu.memory_space<vmem>>) target(%dma_start3A_145 : memref<16x576xf32, #tpu.memory_space<hbm>>) target_semaphore(%arg13 : memref<!tpu.dma_semaphore, #tpu.memory_space<semaphore_mem>>)
    }
    %scan3A_54 = arith.constant 225 : i32
    %rem3A = arith.constant 223 : i32
    %rem3A_55 = arith.constant 2 : i32
    %rem3A_56 = arith.remsi %rem3A, %rem3A_55 : i32
    %dma_wait3A = arith.constant 0 : i32
    %dma_wait3A_57 = arith.constant 0 : i32
    %dma_wait3A_58 = tpu.memref_slice %arg11[%rem3A_56, %dma_wait3A, %dma_wait3A_57] : memref<2x16x576xf32, #tpu.memory_space<vmem>> -> memref<1x16x576xf32, #tpu.memory_space<vmem>>
    %dma_wait3A_59 = tpu.memref_squeeze %dma_wait3A_58 : memref<1x16x576xf32, #tpu.memory_space<vmem>> -> memref<16x576xf32, #tpu.memory_space<vmem>>
    %dma_wait3A_60 = arith.constant 128448 : i32
    %dma_wait3A_61 = tpu.memref_slice %arg7[%mul3A_2, %dma_wait3A_60] : memref<512x129600xf32, #tpu.memory_space<hbm>> -> memref<16x576xf32, #tpu.memory_space<hbm>>
    %dma_wait3A_62 = arith.constant 128448 : i32
    %dma_wait3A_63 = tpu.memref_slice %arg7[%mul3A_2, %dma_wait3A_62] : memref<512x129600xf32, #tpu.memory_space<hbm>> -> memref<16x576xf32, #tpu.memory_space<hbm>>
    %dma_wait3A_64 = arith.constant 0 : i32
    %dma_wait3A_65 = arith.constant 0 : i32
    %dma_wait3A_66 = tpu.memref_slice %arg11[%rem3A_56, %dma_wait3A_64, %dma_wait3A_65] : memref<2x16x576xf32, #tpu.memory_space<vmem>> -> memref<1x16x576xf32, #tpu.memory_space<vmem>>
    %dma_wait3A_67 = tpu.memref_squeeze %dma_wait3A_66 : memref<1x16x576xf32, #tpu.memory_space<vmem>> -> memref<16x576xf32, #tpu.memory_space<vmem>>
    tpu.wait_dma2 semaphore(%arg13 : memref<!tpu.dma_semaphore, #tpu.memory_space<semaphore_mem>>) src(%dma_wait3A_67 : memref<16x576xf32, #tpu.memory_space<vmem>>) dst(%dma_wait3A_63 : memref<16x576xf32, #tpu.memory_space<hbm>>)
    %rem3A_68 = arith.constant 224 : i32
    %rem3A_69 = arith.constant 2 : i32
    %rem3A_70 = arith.remsi %rem3A_68, %rem3A_69 : i32
    %dma_wait3A_71 = arith.constant 0 : i32
    %dma_wait3A_72 = arith.constant 0 : i32
    %dma_wait3A_73 = tpu.memref_slice %arg11[%rem3A_70, %dma_wait3A_71, %dma_wait3A_72] : memref<2x16x576xf32, #tpu.memory_space<vmem>> -> memref<1x16x576xf32, #tpu.memory_space<vmem>>
    %dma_wait3A_74 = tpu.memref_squeeze %dma_wait3A_73 : memref<1x16x576xf32, #tpu.memory_space<vmem>> -> memref<16x576xf32, #tpu.memory_space<vmem>>
    %dma_wait3A_75 = arith.constant 129024 : i32
    %dma_wait3A_76 = tpu.memref_slice %arg7[%mul3A_2, %dma_wait3A_75] : memref<512x129600xf32, #tpu.memory_space<hbm>> -> memref<16x576xf32, #tpu.memory_space<hbm>>
    %dma_wait3A_77 = arith.constant 129024 : i32
    %dma_wait3A_78 = tpu.memref_slice %arg7[%mul3A_2, %dma_wait3A_77] : memref<512x129600xf32, #tpu.memory_space<hbm>> -> memref<16x576xf32, #tpu.memory_space<hbm>>
    %dma_wait3A_79 = arith.constant 0 : i32
    %dma_wait3A_80 = arith.constant 0 : i32
    %dma_wait3A_81 = tpu.memref_slice %arg11[%rem3A_70, %dma_wait3A_79, %dma_wait3A_80] : memref<2x16x576xf32, #tpu.memory_space<vmem>> -> memref<1x16x576xf32, #tpu.memory_space<vmem>>
    %dma_wait3A_82 = tpu.memref_squeeze %dma_wait3A_81 : memref<1x16x576xf32, #tpu.memory_space<vmem>> -> memref<16x576xf32, #tpu.memory_space<vmem>>
    tpu.wait_dma2 semaphore(%arg13 : memref<!tpu.dma_semaphore, #tpu.memory_space<semaphore_mem>>) src(%dma_wait3A_82 : memref<16x576xf32, #tpu.memory_space<vmem>>) dst(%dma_wait3A_78 : memref<16x576xf32, #tpu.memory_space<hbm>>)
    return
  }
}

module attributes {stable_mosaic.version = 14 : i64} {
  func.func @_prep_body(%arg0: memref<129600xi32, #tpu.memory_space<vmem>>, %arg1: memref<129600xi32, #tpu.memory_space<vmem>>, %arg2: memref<129600xi32, #tpu.memory_space<vmem>>, %arg3: memref<129600xf32, #tpu.memory_space<vmem>>, %arg4: memref<129600xf32, #tpu.memory_space<vmem>>) attributes {dimension_semantics = [], scalar_prefetch = 0 : i64, scratch_operands = 0 : i64, tpu.core_type = #tpu.core_type<tc>} {
    %get3A = arith.constant 0 : index
    %get3A_0 = vector.load %arg0[%get3A] : memref<129600xi32, #tpu.memory_space<vmem>>, vector<129600xi32>
    %lt3A = arith.constant 76800 : i32
    %lt3A_1 = vector.broadcast %lt3A : i32 to vector<129600xi32>
    %lt3A_2 = arith.cmpi slt, %get3A_0, %lt3A_1 : vector<129600xi32>
    %jit3A = arith.constant 0 : i32
    %broadcast_in_dim3A = vector.broadcast %jit3A : i32 to vector<129600xi32>
    %select_n3A = arith.select %lt3A_2, %get3A_0, %broadcast_in_dim3A : vector<129600xi1>, vector<129600xi32>
    %jit3A_3 = arith.constant 320 : i32
    %div3A = vector.broadcast %jit3A_3 : i32 to vector<129600xi32>
    %div3A_4 = arith.divsi %select_n3A, %div3A : vector<129600xi32>
    %sign3A = arith.constant 0 : i32
    %sign3A_5 = vector.broadcast %sign3A : i32 to vector<129600xi32>
    %sign3A_6 = arith.cmpi sgt, %select_n3A, %sign3A_5 : vector<129600xi32>
    %sign3A_7 = arith.extui %sign3A_6 : vector<129600xi1> to vector<129600xi32>
    %sign3A_8 = arith.constant 0 : i32
    %sign3A_9 = vector.broadcast %sign3A_8 : i32 to vector<129600xi32>
    %sign3A_10 = arith.cmpi slt, %select_n3A, %sign3A_9 : vector<129600xi32>
    %sign3A_11 = arith.extui %sign3A_10 : vector<129600xi1> to vector<129600xi32>
    %sign3A_12 = arith.subi %sign3A_7, %sign3A_11 : vector<129600xi32>
    %sign3A_13 = arith.constant 0 : i32
    %sign3A_14 = arith.cmpi sgt, %jit3A_3, %sign3A_13 : i32
    %sign3A_15 = arith.extui %sign3A_14 : i1 to i32
    %sign3A_16 = arith.constant 0 : i32
    %sign3A_17 = arith.cmpi slt, %jit3A_3, %sign3A_16 : i32
    %sign3A_18 = arith.extui %sign3A_17 : i1 to i32
    %sign3A_19 = arith.subi %sign3A_15, %sign3A_18 : i32
    %ne3A = vector.broadcast %sign3A_19 : i32 to vector<129600xi32>
    %ne3A_20 = arith.cmpi ne, %sign3A_12, %ne3A : vector<129600xi32>
    %rem3A = vector.broadcast %jit3A_3 : i32 to vector<129600xi32>
    %rem3A_21 = arith.remsi %select_n3A, %rem3A : vector<129600xi32>
    %ne3A_22 = arith.constant 0 : i32
    %ne3A_23 = vector.broadcast %ne3A_22 : i32 to vector<129600xi32>
    %ne3A_24 = arith.cmpi ne, %rem3A_21, %ne3A_23 : vector<129600xi32>
    %and3A = arith.andi %ne3A_20, %ne3A_24 : vector<129600xi1>
    %sub3A = arith.constant 1 : i32
    %sub3A_25 = vector.broadcast %sub3A : i32 to vector<129600xi32>
    %sub3A_26 = arith.subi %div3A_4, %sub3A_25 : vector<129600xi32>
    %select_n3A_27 = arith.select %and3A, %sub3A_26, %div3A_4 : vector<129600xi1>, vector<129600xi32>
    %mul3A = arith.constant 320 : i32
    %mul3A_28 = vector.broadcast %mul3A : i32 to vector<129600xi32>
    %mul3A_29 = arith.muli %select_n3A_27, %mul3A_28 : vector<129600xi32>
    %sub3A_30 = arith.subi %select_n3A, %mul3A_29 : vector<129600xi32>
    %convert_element_type3A = arith.sitofp %select_n3A_27 : vector<129600xi32> to vector<129600xf32>
    %mul3A_31 = arith.constant 0.0585774072 : f32
    %mul3A_32 = vector.broadcast %mul3A_31 : f32 to vector<129600xf32>
    %mul3A_33 = arith.mulf %convert_element_type3A, %mul3A_32 : vector<129600xf32>
    %floor3A = math.floor %mul3A_33 : vector<129600xf32>
    %sub3A_34 = arith.subf %mul3A_33, %floor3A : vector<129600xf32>
    %convert_element_type3A_35 = arith.fptosi %floor3A : vector<129600xf32> to vector<129600xi32>
    %add3A = arith.constant 1 : i32
    %add3A_36 = vector.broadcast %add3A : i32 to vector<129600xi32>
    %add3A_37 = arith.addi %convert_element_type3A_35, %add3A_36 : vector<129600xi32>
    %min3A = arith.constant 14 : i32
    %min3A_38 = vector.broadcast %min3A : i32 to vector<129600xi32>
    %min3A_39 = arith.minsi %add3A_37, %min3A_38 : vector<129600xi32>
    %jit3A_40 = arith.constant 1.000000e+00 : f32
    %jit3A_41 = arith.constant 0.000000e+00 : f32
    %broadcast_in_dim3A_42 = vector.broadcast %jit3A_40 : f32 to vector<129600xf32>
    %broadcast_in_dim3A_43 = vector.broadcast %jit3A_41 : f32 to vector<129600xf32>
    %select_n3A_44 = arith.select %lt3A_2, %broadcast_in_dim3A_42, %broadcast_in_dim3A_43 : vector<129600xi1>, vector<129600xf32>
    %mul3A_45 = arith.constant 320 : i32
    %mul3A_46 = vector.broadcast %mul3A_45 : i32 to vector<129600xi32>
    %mul3A_47 = arith.muli %convert_element_type3A_35, %mul3A_46 : vector<129600xi32>
    %add3A_48 = arith.addi %mul3A_47, %sub3A_30 : vector<129600xi32>
    %swap3A = arith.constant 0 : index
    %swap3A_49 = vector.load %arg1[%swap3A] : memref<129600xi32, #tpu.memory_space<vmem>>, vector<129600xi32>
    tpu.vector_store %arg1[%swap3A], %add3A_48 {strides = array<i32>} : memref<129600xi32, #tpu.memory_space<vmem>>, vector<129600xi32>,
    %mul3A_50 = arith.constant 320 : i32
    %mul3A_51 = vector.broadcast %mul3A_50 : i32 to vector<129600xi32>
    %mul3A_52 = arith.muli %min3A_39, %mul3A_51 : vector<129600xi32>
    %add3A_53 = arith.addi %mul3A_52, %sub3A_30 : vector<129600xi32>
    %swap3A_54 = arith.constant 0 : index
    %swap3A_55 = vector.load %arg2[%swap3A_54] : memref<129600xi32, #tpu.memory_space<vmem>>, vector<129600xi32>
    tpu.vector_store %arg2[%swap3A_54], %add3A_53 {strides = array<i32>} : memref<129600xi32, #tpu.memory_space<vmem>>, vector<129600xi32>,
    %sub3A_56 = arith.constant 1.000000e+00 : f32
    %sub3A_57 = vector.broadcast %sub3A_56 : f32 to vector<129600xf32>
    %sub3A_58 = arith.subf %sub3A_57, %sub3A_34 : vector<129600xf32>
    %mul3A_59 = arith.mulf %sub3A_58, %select_n3A_44 : vector<129600xf32>
    %swap3A_60 = arith.constant 0 : index
    %swap3A_61 = vector.load %arg3[%swap3A_60] : memref<129600xf32, #tpu.memory_space<vmem>>, vector<129600xf32>
    tpu.vector_store %arg3[%swap3A_60], %mul3A_59 {strides = array<i32>} : memref<129600xf32, #tpu.memory_space<vmem>>, vector<129600xf32>,
    %mul3A_62 = arith.mulf %sub3A_34, %select_n3A_44 : vector<129600xf32>
    %swap3A_63 = arith.constant 0 : index
    %swap3A_64 = vector.load %arg4[%swap3A_63] : memref<129600xf32, #tpu.memory_space<vmem>>, vector<129600xf32>
    tpu.vector_store %arg4[%swap3A_63], %mul3A_62 {strides = array<i32>} : memref<129600xf32, #tpu.memory_space<vmem>>, vector<129600xf32>,
    return
  }
}

module attributes {stable_mosaic.version = 14 : i64} {
  func.func @_stage1_body(%arg0: memref<512x2048xf32, #tpu.memory_space<vmem>>, %arg1: memref<2048x300xf32, #tpu.memory_space<vmem>>, %arg2: memref<512x1xf32, #tpu.memory_space<vmem>>, %arg3: memref<512x1xf32, #tpu.memory_space<vmem>>, %arg4: memref<512x4800xf32, #tpu.memory_space<vmem>>) attributes {dimension_semantics = [], scalar_prefetch = 0 : i64, scratch_operands = 0 : i64, tpu.core_type = #tpu.core_type<tc>} {
    %get3A = arith.constant 0 : index
    %get3A_0 = arith.constant 0 : index
    %get3A_1 = vector.load %arg0[%get3A, %get3A_0] : memref<512x2048xf32, #tpu.memory_space<vmem>>, vector<512x2048xf32>
    %get3A_2 = arith.constant 0 : index
    %get3A_3 = arith.constant 0 : index
    %get3A_4 = vector.load %arg1[%get3A_2, %get3A_3] : memref<2048x300xf32, #tpu.memory_space<vmem>>, vector<2048x300xf32>
    %dot_general3A = arith.constant dense<0.000000e+00> : vector<512x300xf32>
    %dot_general3A_5 = tpu.matmul %get3A_1, %get3A_4, %dot_general3A {dimension_numbers = #tpu.dot_dimension_numbers<[1], [0], [0], [1], [0, 0, 1, 1], [], []>, transpose_lhs_hint = false} : vector<512x2048xf32>, vector<2048x300xf32>, vector<512x300xf32> -> vector<512x300xf32>
    %reduce_sum3A = arith.constant dense<0.000000e+00> : vector<512xf32>
    %reduce_sum3A_6 = vector.multi_reduction <add>, %dot_general3A_5, %reduce_sum3A [1] : vector<512x300xf32> to vector<512xf32>
    %broadcast_in_dim3A = vector.shape_cast %reduce_sum3A_6 : vector<512xf32> to vector<512x1xf32>
    %div3A = arith.constant 3.000000e+02 : f32
    %div3A_7 = vector.broadcast %div3A : f32 to vector<512x1xf32>
    %div3A_8 = arith.divf %broadcast_in_dim3A, %div3A_7 : vector<512x1xf32>
    %mul3A = arith.mulf %dot_general3A_5, %dot_general3A_5 : vector<512x300xf32>
    %reduce_sum3A_9 = arith.constant dense<0.000000e+00> : vector<512xf32>
    %reduce_sum3A_10 = vector.multi_reduction <add>, %mul3A, %reduce_sum3A_9 [1] : vector<512x300xf32> to vector<512xf32>
    %broadcast_in_dim3A_11 = vector.shape_cast %reduce_sum3A_10 : vector<512xf32> to vector<512x1xf32>
    %div3A_12 = arith.constant 3.000000e+02 : f32
    %div3A_13 = vector.broadcast %div3A_12 : f32 to vector<512x1xf32>
    %div3A_14 = arith.divf %broadcast_in_dim3A_11, %div3A_13 : vector<512x1xf32>
    %mul3A_15 = arith.mulf %div3A_8, %div3A_8 : vector<512x1xf32>
    %sub3A = arith.subf %div3A_14, %mul3A_15 : vector<512x1xf32>
    %sub3A_16 = vector.broadcast %div3A_8 : vector<512x1xf32> to vector<512x300xf32>
    %sub3A_17 = arith.subf %dot_general3A_5, %sub3A_16 : vector<512x300xf32>
    %add3A = arith.constant 9.99999974E-6 : f32
    %add3A_18 = vector.broadcast %add3A : f32 to vector<512x1xf32>
    %add3A_19 = arith.addf %sub3A, %add3A_18 : vector<512x1xf32>
    %rsqrt3A = math.rsqrt %add3A_19 : vector<512x1xf32>
    %mul3A_20 = vector.broadcast %rsqrt3A : vector<512x1xf32> to vector<512x300xf32>
    %mul3A_21 = arith.mulf %sub3A_17, %mul3A_20 : vector<512x300xf32>
    %get3A_22 = arith.constant 0 : index
    %get3A_23 = arith.constant 0 : index
    %get3A_24 = vector.load %arg2[%get3A_22, %get3A_23] : memref<512x1xf32, #tpu.memory_space<vmem>>, vector<512x1xf32>
    %mul3A_25 = vector.broadcast %get3A_24 : vector<512x1xf32> to vector<512x300xf32>
    %mul3A_26 = arith.mulf %mul3A_21, %mul3A_25 : vector<512x300xf32>
    %get3A_27 = arith.constant 0 : index
    %get3A_28 = arith.constant 0 : index
    %get3A_29 = vector.load %arg3[%get3A_27, %get3A_28] : memref<512x1xf32, #tpu.memory_space<vmem>>, vector<512x1xf32>
    %add3A_30 = vector.broadcast %get3A_29 : vector<512x1xf32> to vector<512x300xf32>
    %add3A_31 = arith.addf %mul3A_26, %add3A_30 : vector<512x300xf32>
    %max3A = arith.constant 0.000000e+00 : f32
    %max3A_32 = vector.broadcast %max3A : f32 to vector<512x300xf32>
    %max3A_33 = arith.maximumf %add3A_31, %max3A_32 : vector<512x300xf32>
    %iota3A = tpu.iota {dimensions = array<i32: 1>} : vector<20x320xi32>
    %iota3A_34 = tpu.iota {dimensions = array<i32: 0>} : vector<20x320xi32>
    %convert_element_type3A = arith.sitofp %iota3A : vector<20x320xi32> to vector<20x320xf32>
    %mul3A_35 = arith.constant 0.0595611297 : f32
    %mul3A_36 = vector.broadcast %mul3A_35 : f32 to vector<20x320xf32>
    %mul3A_37 = arith.mulf %convert_element_type3A, %mul3A_36 : vector<20x320xf32>
    %floor3A = math.floor %mul3A_37 : vector<20x320xf32>
    %sub3A_38 = arith.subf %mul3A_37, %floor3A : vector<20x320xf32>
    %convert_element_type3A_39 = arith.fptosi %floor3A : vector<20x320xf32> to vector<20x320xi32>
    %add3A_40 = arith.constant 1 : i32
    %add3A_41 = vector.broadcast %add3A_40 : i32 to vector<20x320xi32>
    %add3A_42 = arith.addi %convert_element_type3A_39, %add3A_41 : vector<20x320xi32>
    %min3A = arith.constant 19 : i32
    %min3A_43 = vector.broadcast %min3A : i32 to vector<20x320xi32>
    %min3A_44 = arith.minsi %add3A_42, %min3A_43 : vector<20x320xi32>
    %eq3A = arith.cmpi eq, %iota3A_34, %convert_element_type3A_39 : vector<20x320xi32>
    %sub3A_45 = arith.constant 1.000000e+00 : f32
    %sub3A_46 = vector.broadcast %sub3A_45 : f32 to vector<20x320xf32>
    %sub3A_47 = arith.subf %sub3A_46, %sub3A_38 : vector<20x320xf32>
    %jit3A = arith.constant 0.000000e+00 : f32
    %broadcast_in_dim3A_48 = vector.broadcast %jit3A : f32 to vector<20x320xf32>
    %select_n3A = arith.select %eq3A, %sub3A_47, %broadcast_in_dim3A_48 : vector<20x320xi1>, vector<20x320xf32>
    %eq3A_49 = arith.cmpi eq, %iota3A_34, %min3A_44 : vector<20x320xi32>
    %jit3A_50 = arith.constant 0.000000e+00 : f32
    %broadcast_in_dim3A_51 = vector.broadcast %jit3A_50 : f32 to vector<20x320xf32>
    %select_n3A_52 = arith.select %eq3A_49, %sub3A_38, %broadcast_in_dim3A_51 : vector<20x320xi1>, vector<20x320xf32>
    %add3A_53 = arith.addf %select_n3A, %select_n3A_52 : vector<20x320xf32>
    %slice3A = vector.extract_strided_slice %max3A_33 {offsets = [0, 0], sizes = [512, 20], strides = [1, 1]} : vector<512x300xf32> to vector<512x20xf32>
    %dot_general3A_54 = arith.constant dense<0.000000e+00> : vector<512x320xf32>
    %dot_general3A_55 = tpu.matmul %slice3A, %add3A_53, %dot_general3A_54 {dimension_numbers = #tpu.dot_dimension_numbers<[1], [0], [0], [1], [0, 0, 1, 1], [], []>, transpose_lhs_hint = false} : vector<512x20xf32>, vector<20x320xf32>, vector<512x320xf32> -> vector<512x320xf32>
    %swap3A = arith.constant 0 : index
    %swap3A_56 = arith.constant 0 : index
    %swap3A_57 = vector.load %arg4[%swap3A, %swap3A_56] : memref<512x4800xf32, #tpu.memory_space<vmem>>, vector<512x320xf32>
    tpu.vector_store %arg4[%swap3A, %swap3A_56], %dot_general3A_55 {strides = array<i32>} : memref<512x4800xf32, #tpu.memory_space<vmem>>, vector<512x320xf32>,
    %slice3A_58 = vector.extract_strided_slice %max3A_33 {offsets = [0, 20], sizes = [512, 20], strides = [1, 1]} : vector<512x300xf32> to vector<512x20xf32>
    %dot_general3A_59 = arith.constant dense<0.000000e+00> : vector<512x320xf32>
    %dot_general3A_60 = tpu.matmul %slice3A_58, %add3A_53, %dot_general3A_59 {dimension_numbers = #tpu.dot_dimension_numbers<[1], [0], [0], [1], [0, 0, 1, 1], [], []>, transpose_lhs_hint = false} : vector<512x20xf32>, vector<20x320xf32>, vector<512x320xf32> -> vector<512x320xf32>
    %swap3A_61 = arith.constant 0 : index
    %swap3A_62 = arith.constant 320 : index
    %swap3A_63 = vector.load %arg4[%swap3A_61, %swap3A_62] : memref<512x4800xf32, #tpu.memory_space<vmem>>, vector<512x320xf32>
    tpu.vector_store %arg4[%swap3A_61, %swap3A_62], %dot_general3A_60 {strides = array<i32>} : memref<512x4800xf32, #tpu.memory_space<vmem>>, vector<512x320xf32>,
    %slice3A_64 = vector.extract_strided_slice %max3A_33 {offsets = [0, 40], sizes = [512, 20], strides = [1, 1]} : vector<512x300xf32> to vector<512x20xf32>
    %dot_general3A_65 = arith.constant dense<0.000000e+00> : vector<512x320xf32>
    %dot_general3A_66 = tpu.matmul %slice3A_64, %add3A_53, %dot_general3A_65 {dimension_numbers = #tpu.dot_dimension_numbers<[1], [0], [0], [1], [0, 0, 1, 1], [], []>, transpose_lhs_hint = false} : vector<512x20xf32>, vector<20x320xf32>, vector<512x320xf32> -> vector<512x320xf32>
    %swap3A_67 = arith.constant 0 : index
    %swap3A_68 = arith.constant 640 : index
    %swap3A_69 = vector.load %arg4[%swap3A_67, %swap3A_68] : memref<512x4800xf32, #tpu.memory_space<vmem>>, vector<512x320xf32>
    tpu.vector_store %arg4[%swap3A_67, %swap3A_68], %dot_general3A_66 {strides = array<i32>} : memref<512x4800xf32, #tpu.memory_space<vmem>>, vector<512x320xf32>,
    %slice3A_70 = vector.extract_strided_slice %max3A_33 {offsets = [0, 60], sizes = [512, 20], strides = [1, 1]} : vector<512x300xf32> to vector<512x20xf32>
    %dot_general3A_71 = arith.constant dense<0.000000e+00> : vector<512x320xf32>
    %dot_general3A_72 = tpu.matmul %slice3A_70, %add3A_53, %dot_general3A_71 {dimension_numbers = #tpu.dot_dimension_numbers<[1], [0], [0], [1], [0, 0, 1, 1], [], []>, transpose_lhs_hint = false} : vector<512x20xf32>, vector<20x320xf32>, vector<512x320xf32> -> vector<512x320xf32>
    %swap3A_73 = arith.constant 0 : index
    %swap3A_74 = arith.constant 960 : index
    %swap3A_75 = vector.load %arg4[%swap3A_73, %swap3A_74] : memref<512x4800xf32, #tpu.memory_space<vmem>>, vector<512x320xf32>
    tpu.vector_store %arg4[%swap3A_73, %swap3A_74], %dot_general3A_72 {strides = array<i32>} : memref<512x4800xf32, #tpu.memory_space<vmem>>, vector<512x320xf32>,
    %slice3A_76 = vector.extract_strided_slice %max3A_33 {offsets = [0, 80], sizes = [512, 20], strides = [1, 1]} : vector<512x300xf32> to vector<512x20xf32>
    %dot_general3A_77 = arith.constant dense<0.000000e+00> : vector<512x320xf32>
    %dot_general3A_78 = tpu.matmul %slice3A_76, %add3A_53, %dot_general3A_77 {dimension_numbers = #tpu.dot_dimension_numbers<[1], [0], [0], [1], [0, 0, 1, 1], [], []>, transpose_lhs_hint = false} : vector<512x20xf32>, vector<20x320xf32>, vector<512x320xf32> -> vector<512x320xf32>
    %swap3A_79 = arith.constant 0 : index
    %swap3A_80 = arith.constant 1280 : index
    %swap3A_81 = vector.load %arg4[%swap3A_79, %swap3A_80] : memref<512x4800xf32, #tpu.memory_space<vmem>>, vector<512x320xf32>
    tpu.vector_store %arg4[%swap3A_79, %swap3A_80], %dot_general3A_78 {strides = array<i32>} : memref<512x4800xf32, #tpu.memory_space<vmem>>, vector<512x320xf32>,
    %slice3A_82 = vector.extract_strided_slice %max3A_33 {offsets = [0, 100], sizes = [512, 20], strides = [1, 1]} : vector<512x300xf32> to vector<512x20xf32>
    %dot_general3A_83 = arith.constant dense<0.000000e+00> : vector<512x320xf32>
    %dot_general3A_84 = tpu.matmul %slice3A_82, %add3A_53, %dot_general3A_83 {dimension_numbers = #tpu.dot_dimension_numbers<[1], [0], [0], [1], [0, 0, 1, 1], [], []>, transpose_lhs_hint = false} : vector<512x20xf32>, vector<20x320xf32>, vector<512x320xf32> -> vector<512x320xf32>
    %swap3A_85 = arith.constant 0 : index
    %swap3A_86 = arith.constant 1600 : index
    %swap3A_87 = vector.load %arg4[%swap3A_85, %swap3A_86] : memref<512x4800xf32, #tpu.memory_space<vmem>>, vector<512x320xf32>
    tpu.vector_store %arg4[%swap3A_85, %swap3A_86], %dot_general3A_84 {strides = array<i32>} : memref<512x4800xf32, #tpu.memory_space<vmem>>, vector<512x320xf32>,
    %slice3A_88 = vector.extract_strided_slice %max3A_33 {offsets = [0, 120], sizes = [512, 20], strides = [1, 1]} : vector<512x300xf32> to vector<512x20xf32>
    %dot_general3A_89 = arith.constant dense<0.000000e+00> : vector<512x320xf32>
    %dot_general3A_90 = tpu.matmul %slice3A_88, %add3A_53, %dot_general3A_89 {dimension_numbers = #tpu.dot_dimension_numbers<[1], [0], [0], [1], [0, 0, 1, 1], [], []>, transpose_lhs_hint = false} : vector<512x20xf32>, vector<20x320xf32>, vector<512x320xf32> -> vector<512x320xf32>
    %swap3A_91 = arith.constant 0 : index
    %swap3A_92 = arith.constant 1920 : index
    %swap3A_93 = vector.load %arg4[%swap3A_91, %swap3A_92] : memref<512x4800xf32, #tpu.memory_space<vmem>>, vector<512x320xf32>
    tpu.vector_store %arg4[%swap3A_91, %swap3A_92], %dot_general3A_90 {strides = array<i32>} : memref<512x4800xf32, #tpu.memory_space<vmem>>, vector<512x320xf32>,
    %slice3A_94 = vector.extract_strided_slice %max3A_33 {offsets = [0, 140], sizes = [512, 20], strides = [1, 1]} : vector<512x300xf32> to vector<512x20xf32>
    %dot_general3A_95 = arith.constant dense<0.000000e+00> : vector<512x320xf32>
    %dot_general3A_96 = tpu.matmul %slice3A_94, %add3A_53, %dot_general3A_95 {dimension_numbers = #tpu.dot_dimension_numbers<[1], [0], [0], [1], [0, 0, 1, 1], [], []>, transpose_lhs_hint = false} : vector<512x20xf32>, vector<20x320xf32>, vector<512x320xf32> -> vector<512x320xf32>
    %swap3A_97 = arith.constant 0 : index
    %swap3A_98 = arith.constant 2240 : index
    %swap3A_99 = vector.load %arg4[%swap3A_97, %swap3A_98] : memref<512x4800xf32, #tpu.memory_space<vmem>>, vector<512x320xf32>
    tpu.vector_store %arg4[%swap3A_97, %swap3A_98], %dot_general3A_96 {strides = array<i32>} : memref<512x4800xf32, #tpu.memory_space<vmem>>, vector<512x320xf32>,
    %slice3A_100 = vector.extract_strided_slice %max3A_33 {offsets = [0, 160], sizes = [512, 20], strides = [1, 1]} : vector<512x300xf32> to vector<512x20xf32>
    %dot_general3A_101 = arith.constant dense<0.000000e+00> : vector<512x320xf32>
    %dot_general3A_102 = tpu.matmul %slice3A_100, %add3A_53, %dot_general3A_101 {dimension_numbers = #tpu.dot_dimension_numbers<[1], [0], [0], [1], [0, 0, 1, 1], [], []>, transpose_lhs_hint = false} : vector<512x20xf32>, vector<20x320xf32>, vector<512x320xf32> -> vector<512x320xf32>
    %swap3A_103 = arith.constant 0 : index
    %swap3A_104 = arith.constant 2560 : index
    %swap3A_105 = vector.load %arg4[%swap3A_103, %swap3A_104] : memref<512x4800xf32, #tpu.memory_space<vmem>>, vector<512x320xf32>
    tpu.vector_store %arg4[%swap3A_103, %swap3A_104], %dot_general3A_102 {strides = array<i32>} : memref<512x4800xf32, #tpu.memory_space<vmem>>, vector<512x320xf32>,
    %slice3A_106 = vector.extract_strided_slice %max3A_33 {offsets = [0, 180], sizes = [512, 20], strides = [1, 1]} : vector<512x300xf32> to vector<512x20xf32>
    %dot_general3A_107 = arith.constant dense<0.000000e+00> : vector<512x320xf32>
    %dot_general3A_108 = tpu.matmul %slice3A_106, %add3A_53, %dot_general3A_107 {dimension_numbers = #tpu.dot_dimension_numbers<[1], [0], [0], [1], [0, 0, 1, 1], [], []>, transpose_lhs_hint = false} : vector<512x20xf32>, vector<20x320xf32>, vector<512x320xf32> -> vector<512x320xf32>
    %swap3A_109 = arith.constant 0 : index
    %swap3A_110 = arith.constant 2880 : index
    %swap3A_111 = vector.load %arg4[%swap3A_109, %swap3A_110] : memref<512x4800xf32, #tpu.memory_space<vmem>>, vector<512x320xf32>
    tpu.vector_store %arg4[%swap3A_109, %swap3A_110], %dot_general3A_108 {strides = array<i32>} : memref<512x4800xf32, #tpu.memory_space<vmem>>, vector<512x320xf32>,
    %slice3A_112 = vector.extract_strided_slice %max3A_33 {offsets = [0, 200], sizes = [512, 20], strides = [1, 1]} : vector<512x300xf32> to vector<512x20xf32>
    %dot_general3A_113 = arith.constant dense<0.000000e+00> : vector<512x320xf32>
    %dot_general3A_114 = tpu.matmul %slice3A_112, %add3A_53, %dot_general3A_113 {dimension_numbers = #tpu.dot_dimension_numbers<[1], [0], [0], [1], [0, 0, 1, 1], [], []>, transpose_lhs_hint = false} : vector<512x20xf32>, vector<20x320xf32>, vector<512x320xf32> -> vector<512x320xf32>
    %swap3A_115 = arith.constant 0 : index
    %swap3A_116 = arith.constant 3200 : index
    %swap3A_117 = vector.load %arg4[%swap3A_115, %swap3A_116] : memref<512x4800xf32, #tpu.memory_space<vmem>>, vector<512x320xf32>
    tpu.vector_store %arg4[%swap3A_115, %swap3A_116], %dot_general3A_114 {strides = array<i32>} : memref<512x4800xf32, #tpu.memory_space<vmem>>, vector<512x320xf32>,
    %slice3A_118 = vector.extract_strided_slice %max3A_33 {offsets = [0, 220], sizes = [512, 20], strides = [1, 1]} : vector<512x300xf32> to vector<512x20xf32>
    %dot_general3A_119 = arith.constant dense<0.000000e+00> : vector<512x320xf32>
    %dot_general3A_120 = tpu.matmul %slice3A_118, %add3A_53, %dot_general3A_119 {dimension_numbers = #tpu.dot_dimension_numbers<[1], [0], [0], [1], [0, 0, 1, 1], [], []>, transpose_lhs_hint = false} : vector<512x20xf32>, vector<20x320xf32>, vector<512x320xf32> -> vector<512x320xf32>
    %swap3A_121 = arith.constant 0 : index
    %swap3A_122 = arith.constant 3520 : index
    %swap3A_123 = vector.load %arg4[%swap3A_121, %swap3A_122] : memref<512x4800xf32, #tpu.memory_space<vmem>>, vector<512x320xf32>
    tpu.vector_store %arg4[%swap3A_121, %swap3A_122], %dot_general3A_120 {strides = array<i32>} : memref<512x4800xf32, #tpu.memory_space<vmem>>, vector<512x320xf32>,
    %slice3A_124 = vector.extract_strided_slice %max3A_33 {offsets = [0, 240], sizes = [512, 20], strides = [1, 1]} : vector<512x300xf32> to vector<512x20xf32>
    %dot_general3A_125 = arith.constant dense<0.000000e+00> : vector<512x320xf32>
    %dot_general3A_126 = tpu.matmul %slice3A_124, %add3A_53, %dot_general3A_125 {dimension_numbers = #tpu.dot_dimension_numbers<[1], [0], [0], [1], [0, 0, 1, 1], [], []>, transpose_lhs_hint = false} : vector<512x20xf32>, vector<20x320xf32>, vector<512x320xf32> -> vector<512x320xf32>
    %swap3A_127 = arith.constant 0 : index
    %swap3A_128 = arith.constant 3840 : index
    %swap3A_129 = vector.load %arg4[%swap3A_127, %swap3A_128] : memref<512x4800xf32, #tpu.memory_space<vmem>>, vector<512x320xf32>
    tpu.vector_store %arg4[%swap3A_127, %swap3A_128], %dot_general3A_126 {strides = array<i32>} : memref<512x4800xf32, #tpu.memory_space<vmem>>, vector<512x320xf32>,
    %slice3A_130 = vector.extract_strided_slice %max3A_33 {offsets = [0, 260], sizes = [512, 20], strides = [1, 1]} : vector<512x300xf32> to vector<512x20xf32>
    %dot_general3A_131 = arith.constant dense<0.000000e+00> : vector<512x320xf32>
    %dot_general3A_132 = tpu.matmul %slice3A_130, %add3A_53, %dot_general3A_131 {dimension_numbers = #tpu.dot_dimension_numbers<[1], [0], [0], [1], [0, 0, 1, 1], [], []>, transpose_lhs_hint = false} : vector<512x20xf32>, vector<20x320xf32>, vector<512x320xf32> -> vector<512x320xf32>
    %swap3A_133 = arith.constant 0 : index
    %swap3A_134 = arith.constant 4160 : index
    %swap3A_135 = vector.load %arg4[%swap3A_133, %swap3A_134] : memref<512x4800xf32, #tpu.memory_space<vmem>>, vector<512x320xf32>
    tpu.vector_store %arg4[%swap3A_133, %swap3A_134], %dot_general3A_132 {strides = array<i32>} : memref<512x4800xf32, #tpu.memory_space<vmem>>, vector<512x320xf32>,
    %slice3A_136 = vector.extract_strided_slice %max3A_33 {offsets = [0, 280], sizes = [512, 20], strides = [1, 1]} : vector<512x300xf32> to vector<512x20xf32>
    %dot_general3A_137 = arith.constant dense<0.000000e+00> : vector<512x320xf32>
    %dot_general3A_138 = tpu.matmul %slice3A_136, %add3A_53, %dot_general3A_137 {dimension_numbers = #tpu.dot_dimension_numbers<[1], [0], [0], [1], [0, 0, 1, 1], [], []>, transpose_lhs_hint = false} : vector<512x20xf32>, vector<20x320xf32>, vector<512x320xf32> -> vector<512x320xf32>
    %swap3A_139 = arith.constant 0 : index
    %swap3A_140 = arith.constant 4480 : index
    %swap3A_141 = vector.load %arg4[%swap3A_139, %swap3A_140] : memref<512x4800xf32, #tpu.memory_space<vmem>>, vector<512x320xf32>
    tpu.vector_store %arg4[%swap3A_139, %swap3A_140], %dot_general3A_138 {strides = array<i32>} : memref<512x4800xf32, #tpu.memory_space<vmem>>, vector<512x320xf32>,
    return
  }
}

</mosaic_0001>

<sc_bundles>
// kernel: kernel.5.cloned.1.call-start
scs
__scs_entry_jumppad:
0x0: {  	(pc) =	sbr.rel $0x88, $3  }
0x1: {  	(tag) =	ssettag $0x0;
	lr =	simm.s32 $0x1  }
0x2: {  	[smem:$0x3F9C] =	sst lr;
	_ =	strace $0xD0000000  }
0x3: {  	_ = 	snop  }
0x4: {  	_ = 	snop  }
0x5: {  	_ = 	snop  }
0x6: {  	_ = 	snop  }
0x7: {  	_ = 	snop  }
__scs_overlays_trampoline_lowered:
0x8: {  	[smem:$0x3FAB] =	sst s0  }
0x9: {  	[smem:$0x3FAC] =	sst s1  }
0xa: {  	[smem:$0x3FAD] =	sst s2  }
0xb: {  	[smem:$0x3FAE] =	sst s3  }
0xc: {  	[smem:$0x3FAF] =	sst s4  }
0xd: {  	[smem:$0x3FB0] =	sst s5  }
0xe: {  	[smem:$0x3FB1] =	sst s6  }
0xf: {  	[smem:$0x3FB2] =	sst s7  }
0x10: {  	[smem:$0x3FB3] =	sst s8  }
0x11: {  	[smem:$0x3FB4] =	sst s9;
	s0 =	simm.s32 @!p0 $0x0  }
0x12: {  	s1 =	sld [smem:$0x3F9A];
	s0 =	simm.s32 @p0 $0x1  }
0x13: {  	[smem:$0x3FB5] =	sst s0;
	s0 =	simm.s32 @!p1 $0x0  }
0x14: {  	s2 =	sld [smem:$0x3F99];
	s0 =	simm.s32 @p1 $0x1  }
0x15: {  	[smem:$0x3FB6] =	sst s0;
	s0 =	simm.s32 @!p2 $0x0  }
0x16: {  	s3 =	sld [smem:$0x3FDB];
	s0 =	simm.s32 @p2 $0x1  }
0x17: {  	s4 =	simm.s32 $0x1BF5;
	[smem:$0x3FB8] =	sst s0  }
0x18: {  	s0 =	sld [smem:$0x3F9B];
	_ =	swait.ge [sflag:s4], $0x0  }
0x19: {  	s7 =	sld [smem:$0x3F9C]  }
0x1a: {  	s8 =	sadd.s32 $0xFFFFE003, lr  }
0x1b: {  	s9 =	sadd.s32 $0xFFFFFEF7, lr;
	s5 =	simm.s32 $0xFFFFFFFF;
	p2 =	slt.u32 s8, $0xFFFFF086  }
0x1c: {  	p1 =	slt.u32 s9, $0xF7A;
	s5 =	simm.s32 @!p2 $0x0  }
0x1d: {  	s5 =	simm.s32 @p1 $0x1;
	p0 =	seq.s32 s7, s2  }
0x1e: {  	s7 =	smul.u32 @!p0 $0xF7A, s2;
	p2 =	seq.s32 @!p0 s5, $0x0  }
0x1f: {  	s9 =	smul.u32 $0xF7A, s1;
	s8 =	simm.s32 @!p0 $0x1BF5;
	p2 =	por !p2, p0  }
0x20: {  	[sflag:s8] =	ssyncset.s32 @!p0 $0xFFFFF086;
	s6 =	sadd.s32 @!p0 s3, s7;
	s7 =	simm.s32 @!p0 $0x108  }
0x21: {  	s3 =	sadd.s32 s3, s9;
	s6 =	sadd.s32 @!p0 $0x88, s6;
	s7 =	simm.s32 @p2 $0x1082  }
0x22: {  	[simem:s7], [sflag:s8] =	dma.local @!p0 [hbm:s6], $0xF7A  }
0x23: {  	s9 =	sor.u32 $0xD0000000, s2;
	s6 =	simm.s32 $0x108;
	_ =	swait.ge @!p0 [sflag:s8], $0x0  }
0x24: {  	s3 =	sadd.s32 $0x88, s3;
	s6 =	simm.s32 @!p1 $0x1082;
	[sflag:s4] =	ssyncset.s32 $0xFFFFF086  }
0x25: {  	[simem:s6], [sflag:s4] =	dma.local [hbm:s3], $0xF7A  }
0x26: {  	[smem:$0x3F9C] =	sst s1;
	(tag) =	ssettag s2;
	_ =	strace s9  }
0x27: {  	s1 =	sld [smem:$0x3FAC]  }
0x28: {  	s2 =	sld [smem:$0x3FAD]  }
0x29: {  	s4 =	sld [smem:$0x3FAF]  }
0x2a: {  	p0 =	seq.s32 s5, $0x0;
	s5 =	sld [smem:$0x3FB0]  }
0x2b: {  	s6 =	sld [smem:$0x3FB1]  }
0x2c: {  	s7 =	sld [smem:$0x3FB2]  }
0x2d: {  	s3 =	simm.s32 $0x108;
	s8 =	sld [smem:$0x3FB3]  }
0x2e: {  	s3 =	simm.s32 @!p0 $0x1082;
	s9 =	sld [smem:$0x3FB4]  }
0x2f: {  	lr =	sadd.s32 s0, s3;
	s0 =	sld [smem:$0x3FAB]  }
0x30: {  	s3 =	sld [smem:$0x3FAE]  }
0x31: {  	[smem:$0x3FB7] =	sst s10  }
0x32: {  	s10 =	sld [smem:$0x3FB5];
	_ =	sdelay $0x3  }
0x33: {  	p0 =	seq.s32 s10, $0x1;
	s10 =	sld [smem:$0x3FB7];
	_ =	sdelay $0x3  }
0x34: {  	[smem:$0x3FB7] =	sst s10  }
0x35: {  	s10 =	sld [smem:$0x3FB6];
	_ =	sdelay $0x3  }
0x36: {  	p1 =	seq.s32 s10, $0x1;
	s10 =	sld [smem:$0x3FB7];
	_ =	sdelay $0x3  }
0x37: {  	[smem:$0x3FB7] =	sst s10  }
0x38: {  	s10 =	sld [smem:$0x3FB8]  }
0x39: {  	_ = 	snop;
	(pc) =	sbr.ind lr, $3  }
0x3a: {  	_ = 	snop  }
0x3b: {  	_ = 	snop  }
0x3c: {  	p2 =	seq.s32 s10, $0x1;
	s10 =	sld [smem:$0x3FB7]  }
0x3d: {  	_ =	shalt  }
0x3e: {  	_ =	shalt  }
0x3f: {  	_ =	shalt  }
0x40: {  	_ =	shalt  }
0x41: {  	_ =	shalt  }
0x42: {  	_ =	shalt  }
0x43: {  	_ =	shalt  }
0x44: {  	_ =	shalt  }
0x45: {  	_ =	shalt  }
0x46: {  	_ =	shalt  }
0x47: {  	_ =	shalt  }
0x48: {  	_ =	shalt  }
0x49: {  	_ =	shalt  }
0x4a: {  	_ =	shalt  }
0x4b: {  	_ =	shalt  }
0x4c: {  	_ =	shalt  }
0x4d: {  	_ =	shalt  }
0x4e: {  	_ =	shalt  }
0x4f: {  	_ =	shalt  }
0x50: {  	_ =	shalt  }
0x51: {  	_ =	shalt  }
0x52: {  	_ =	shalt  }
0x53: {  	_ =	shalt  }
0x54: {  	_ =	shalt  }
0x55: {  	_ =	shalt  }
0x56: {  	_ =	shalt  }
0x57: {  	_ =	shalt  }
0x58: {  	_ =	shalt  }
0x59: {  	_ =	shalt  }
0x5a: {  	_ =	shalt  }
0x5b: {  	_ =	shalt  }
0x5c: {  	_ =	shalt  }
0x5d: {  	_ =	shalt  }
0x5e: {  	_ =	shalt  }
0x5f: {  	_ =	shalt  }
0x60: {  	_ =	shalt  }
0x61: {  	_ =	shalt  }
0x62: {  	_ =	shalt  }
0x63: {  	_ =	shalt  }
0x64: {  	_ =	shalt  }
0x65: {  	_ =	shalt  }
0x66: {  	_ =	shalt  }
0x67: {  	_ =	shalt  }
0x68: {  	_ =	shalt  }
0x69: {  	_ =	shalt  }
0x6a: {  	_ =	shalt  }
0x6b: {  	_ =	shalt  }
0x6c: {  	_ =	shalt  }
0x6d: {  	_ =	shalt  }
0x6e: {  	_ =	shalt  }
0x6f: {  	_ =	shalt  }
0x70: {  	_ =	shalt  }
0x71: {  	_ =	shalt  }
0x72: {  	_ =	shalt  }
0x73: {  	_ =	shalt  }
0x74: {  	_ =	shalt  }
0x75: {  	_ =	shalt  }
0x76: {  	_ =	shalt  }
0x77: {  	_ =	shalt  }
0x78: {  	_ =	shalt  }
0x79: {  	_ =	shalt  }
0x7a: {  	_ =	shalt  }
0x7b: {  	_ =	shalt  }
0x7c: {  	_ =	shalt  }
0x7d: {  	_ =	shalt  }
0x7e: {  	_ =	shalt  }
0x7f: {  	_ =	shalt  }
0x80: {  	_ =	shalt  }
0x81: {  	_ =	shalt  }
0x82: {  	_ =	shalt  }
0x83: {  	_ =	shalt  }
0x84: {  	_ =	shalt  }
0x85: {  	_ =	shalt  }
0x86: {  	_ =	shalt  }
0x87: {  	_ =	shalt  }
.Lfunc_end0:
.L_simem_size_0:
called_computation.1_lowered:
.L_overlay_start_0:
0x88: {  	s2 =	sld [smem:$0x3FD9]  }
0x89: {  	s3 =	sld [smem:$0x3FFE];
	_ =	sdelay $0x1  }
0x8a: {  	s1 =	srdreg.scid  }
0x8b: {  	s0 =	sand.u32 $0x1, s1  }
0x8c: {  	s17 =	sshll.u32 s0, $0xA;
	s2 =	sadd.s32 s3, s2  }
0x8d: {  	s2 =	sadd.s32 s2, s17  }
0x8e: {  	[smem:$0x3FC3] =	sst s2  }
0x8f: {  	_ = 	snop  }
0x90: {  	s2 =	sld [smem:$0x3FD0];
	(tm) =	ssettm $0x1  }
0x91: {  	s18 =	sld [smem:$0x3FFB];
	_ =	sdelay $0x3  }
0x92: {  	_ =	strace s18  }
0x93: {  	s3 =	sld [smem:$0x3FFC];
	_ =	sdelay $0x3  }
0x94: {  	_ =	strace s3  }
0x95: {  	s3 =	sld [smem:$0x3FFD];
	_ =	sdelay $0x3  }
0x96: {  	_ =	strace s3  }
0x97: {  	_ =	strace $0x8FFFFFFF  }
0x98: {  	s19 =	sld [smem:$0x3FDB];
	_ =	sdelay $0x1  }
0x99: {  	s4 =	simm.s32 $_scs_section_size  }
0x9a: {  	s5 =	simm.s32 $_size__tile_overlayer_lowered;
	s6 =	simm.s32 $_tile_overlayer_lowered  }
0x9b: {  	s22 =	simm.s32 $0x1BFF;
	s21 =	sshll.u32 s6, $0x1;
	s3 =	sadd.s32 s4, s19  }
0x9c: {  	s7 =	simm.s32 $0x0;
	s20 =	sshll.u32 s5, $0x1;
	s5 =	sadd.s32 s21, s3  }
0x9d: {  	[timem:s7], [sflag:s22] =	dma.local [hbm:s5], s20  }
0x9e: {  	_ =	swait.ge [sflag:s22], s20  }
0x9f: {  	s4 =	ssub.s32 $0x0, s20;
	[sflag:s22] =	ssyncset.done $0x0  }
0xa0: {  	[sflag:s22] =	ssyncadd.s32 s4;
	_ =	sdelay $0x1  }
0xa1: {  	s23 =	simm.s32 $0x1B8B  }
0xa2: {  	_ =	swait.ge [sflag:s23], $0x1  }
0xa3: {  	[sflag:s23] =	ssyncset.done $0x0  }
0xa4: {  	s25 =	simm.s32 $0x1B8E;
	s24 =	sld [smem:$0x3FFE];
	[sflag:s23] =	ssyncadd.s32 $0xFFFFFFFF  }
0xa5: {  	s26 =	simm.s32 $execute0_lowered;
	[smem:$0x3FD2] =	sst s25  }
0xa6: {  	s5 =	sshll.u32 s26, $0x1;
	_ =	strace $0x80000046;
	[dreg:$0x1] =	wrdreg $0xFFFFFFFF  }
0xa7: {  	s28 =	simm.s32 $_size_execute0_lowered;
	s3 =	sadd.s32 s3, s5;
	[dreg:$0x0] =	wrdreg $0x0  }
0xa8: {  	s5 =	sshll.u32 s28, $0x1;
	[dreg:$0x2] =	wrdreg s3  }
0xa9: {  	[dreg:$0x3] =	wrdreg s5  }
0xaa: {  	[dreg:$0x4] =	wrdreg $0xC0  }
0xab: {  	_ =	task [dreg:s7], $0x5FFFF  }
0xac: {  	[dreg:$0x1] =	wrdreg $0xFFFFFFFF  }
0xad: {  	[dreg:$0x0] =	wrdreg $0x60  }
0xae: {  	[dreg:$0x2] =	wrdreg s24  }
0xaf: {  	[dreg:$0x3] =	wrdreg s2  }
0xb0: {  	[dreg:$0x4] =	wrdreg $0x9  }
0xb1: {  	_ =	task.clear_ibuf [dreg:s7], $0x5FFFF;
	_ =	strace $0x90000046  }
0xb2: {  	s29 =	simm.s32 $0x9;
	_ =	strace $0x80000048  }
0xb3: {  	_ =	swait.ge [sflag:s29], $0x1  }
0xb4: {  	[sflag:s29] =	ssyncadd.s32 $0xFFFFFFFF  }
0xb5: {  	_ =	strace $0x90000048  }
0xb6: {  	_ =	sfence  }
0xb7: {  	s30 =	sld [smem:$0x0];
	_ =	sdelay $0x2  }
0xb8: {  	s31 =	sshll.u32 s1, $0xD;
	s1 =	sshrl.u32 s1, $0x2  }
0xb9: {  	s3 =	sand.u32 $0x4000, s31;
	s1 =	sadd.s32 s1, s30  }
0xba: {  	s0 =	sor.u32 s3, s0;
	s1 =	sshll.u32 s1, $0x11  }
0xbb: {  	s0 =	sor.u32 s1, s0  }
0xbc: {  	s0 =	sadd.s32 $0x8F2B, s0  }
0xbd: {  	[sflag:s0] =	ssyncadd.remote.s32 $0x1  }
0xbe: {  	_ =	sfence.sel $0xFFFF  }
0xbf: {  	[dreg:$0x0] =	wrdreg $0xFFFFFFFF;
	(pc) =	sbr.abs _section_cstart, $3  }
0xc0: {  	[dreg:$0x1] =	wrdreg $0xFFFFFFFF  }
0xc1: {  	_ =	task.clear_ibuf [dreg:s7], $0x2FFFF;
	_ =	strace $0x9FFFFFFF  }
0xc2: {  	(tm) =	ssettm $0x7FFFFFFF  }
0xc3: {  	_ =	shalt  }
tec
execute0_lowered:
.L_overlay_start_1:
0x0: {  	(tag) =	ssettag $0x1  }
0x1: {  	s1 =	srdreg.scid;
	s7 =	rddreg [dreg:$0x0]  }
0x2: {  	s0 =	stileid.u32;
	s2 =	rddreg [dreg:$0x1]  }
0x3: {  	s3 =	simm.s32 $0x0;
	s12 =	simm.s32 $0x12C00;
	s13 =	simm.s32 $0x12E40  }
0x4: {  	s14 =	simm.s32 $0x13500;
	s15 =	simm.s32 $0x13740;
	s16 =	simm.s32 $0x1  }
0x5: {  	s17 =	simm.s32 $0x2;
	s18 =	simm.s32 $0x240;
	s19 =	simm.s32 $0x1FA40  }
0x6: {  	s20 =	simm.s32 $0x0;
	s5 =	sand.u32 $0x1, s1;
	s1 =	rddreg [dreg:$0x2]  }
0x7: {  	s4 =	sshll.u32 s0, $0x5;
	[smem:$0x7FF] =	sst s3;
	s6 =	sshll.u32 s5, $0x4  }
0x8: {  	_ =	strace $0x80000047;
	s10 =	ssub.s32 $0x2, s5;
	s9 =	sor.u32 s6, s4  }
0x9: {  	s5 =	sadd.s32 $0x4A00, s7;
	s11 =	sshrl.u32 s10, $0x1;
	s4 =	smul.u32 $0x258, s9  }
0xa: {  	s6 =	sadd.s32 $0x8A00, s7;
	s10 =	ssub.s32 s10, s11;
	s9 =	smul.u32 $0x1FA40, s9  }
0xb: {  	s11 =	simm.s32 $0x3;
	s10 =	smax.u32 s10, $0x1;
	s8 =	sadd.s32 s4, s7  }
0xc: {  	s4 =	sadd.s32 $0xA00, s7;
	s7 =	sadd.s32 $0xCA00, s7;
	s8 =	sadd.s32 $0x10A00, s8  }
.LBB2_1:
0xd: {  	[tilespmem:s3], [sflag:$0x3] =	stream.linear.gather [hbm4b:s8+s3], $0x12C00, $0x38;
	[tilespmem:$0x18600] =	vst v63  }
0xe: {  	_ =	swait.ge [sflag:s11], $0x12C00  }
0xf: {  	[sflag:s11] =	ssyncset.done $0x0  }
0x10: {  	[sflag:s11] =	ssyncadd.s32 $0xFFFED400  }
0x11: {  	[tilespmem:s12], [sflag:$0x1] =	stream.linear.gather [hbm4b:s4+s3], $0x240, $0x38;
	[tilespmem:$0x18600] =	vst v63  }
0x12: {  	_ = 	snop  }
0x13: {  	[tilespmem:s13], [sflag:$0x1] =	stream.linear.gather [hbm4b:s5+s3], $0x240, $0x38;
	[tilespmem:$0x18600] =	vst v63  }
0x14: {  	_ = 	snop  }
0x15: {  	[tilespmem:s14], [sflag:$0x1] =	stream.linear.gather [hbm4b:s6+s3], $0x240, $0x38;
	[tilespmem:$0x18600] =	vst v63  }
0x16: {  	p0 =	por $0x0, $0x0;
	s22 =	simm.s32 $0x0  }
0x17: {  	[tilespmem:s15], [sflag:$0x1] =	stream.linear.gather [hbm4b:s7+s3], $0x240, $0x38;
	[tilespmem:$0x18600] =	vst v63  }
.LBB2_2:
0x18: {  	_ =	swait.ge [sflag:s16], $0x240  }
0x19: {  	[sflag:s16] =	ssyncset.done $0x0  }
0x1a: {  	[sflag:s16] =	ssyncadd.s32 $0xFFFFFDC0  }
0x1b: {  	_ =	swait.ge [sflag:s16], $0x240  }
0x1c: {  	[sflag:s16] =	ssyncset.done $0x0  }
0x1d: {  	[sflag:s16] =	ssyncadd.s32 $0xFFFFFDC0  }
0x1e: {  	s23 =	sand.u32 $0x1, s22;
	_ =	swait.ge [sflag:s16], $0x240  }
0x1f: {  	p1 =	seq.s32 s22, $0xE0;
	s21 =	sadd.s32 $0x1, s22;
	[sflag:s16] =	ssyncset.done $0x0  }
0x20: {  	s24 =	sxor.u32 @!p1 $0x1, s23;
	s25 =	smul.u32 @!p1 $0x48, s21;
	[sflag:s16] =	ssyncadd.s32 $0xFFFFFDC0  }
0x21: {  	s24 =	smul.u32 @!p1 $0x480, s24;
	_ =	swait.ge [sflag:s16], $0x240  }
0x22: {  	s29 =	simm.s32 @!p1 $0x0;
	[sflag:s16] =	ssyncset.done $0x0  }
0x23: {  	s28 =	sadd.s32 @!p1 s4, s25;
	s26 =	sadd.s32 @!p1 $0x12C00, s24;
	[sflag:s16] =	ssyncadd.s32 $0xFFFFFDC0  }
0x24: {  	[tilespmem:s26], [sflag:$0x1] =	stream.linear.gather @!p1 [hbm4b:s28+s29], $0x240, $0x38;
	[tilespmem:$0x18600] =	vst v63  }
0x25: {  	s26 =	sadd.s32 @!p1 $0x12E40, s24;
	s28 =	sadd.s32 @!p1 s5, s25  }
0x26: {  	[tilespmem:s26], [sflag:$0x1] =	stream.linear.gather @!p1 [hbm4b:s28+s29], $0x240, $0x38;
	[tilespmem:$0x18600] =	vst v63  }
0x27: {  	s26 =	sadd.s32 @!p1 $0x13500, s24;
	s28 =	sadd.s32 @!p1 s6, s25  }
0x28: {  	[tilespmem:s26], [sflag:$0x1] =	stream.linear.gather @!p1 [hbm4b:s28+s29], $0x240, $0x38;
	[tilespmem:$0x18600] =	vst v63  }
0x29: {  	s24 =	sadd.s32 @!p1 $0x13740, s24;
	s25 =	sadd.s32 @!p1 s7, s25  }
0x2a: {  	[tilespmem:s24], [sflag:$0x1] =	stream.linear.gather @!p1 [hbm4b:s25+s29], $0x240, $0x38;
	[tilespmem:$0x18600] =	vst v63  }
0x2b: {  	s24 =	simm.s32 $0x1  }
0x2c: {  	s24 =	simm.s32 @!p0 $0x0  }
0x2d: {  	s28 =	smul.u32 $0x9000, s24  }
0x2e: {  	s24 =	smul.u32 $0x1200, s24  }
0x2f: {  	s23 =	smul.u32 $0x9000, s23  }
0x30: {  	p2 =	slt.u32 @!p1 s22, $0x2;
	s24 =	sshrl.u32 s24, $0x2  }
0x31: {  	s31 =	sshrl.u32 s23, $0x2;
	p1 =	por p1, !p2;
	s29 =	sadd.s32 $0x12E50, s24  }
0x32: {  	_ =	swait.ge @p1 [sflag:s17], $0x2400;
	s25 =	sshrl.u32 s28, $0x2;
	s30 =	sadd.s32 $0x13750, s24;
	v0 =	vmov s29  }
0x33: {  	s23 =	smul.u32 $0x240, s22;
	[sflag:s17] =	ssyncset.done @p1 $0x0;
	s25 =	sadd.s32 $0x13E00, s25;
	[tilespmem:$0x1FFE0] =	vst v0;
	v0 =	vmov s30  }
0x34: {  	s22 =	sadd.s32 $0x13E00, s31;
	[sflag:s17] =	ssyncadd.s32 @p1 $0xFFFFDC00;
	s24 =	simm.s32 $0x0;
	v2 =	vmov s25;
	[tilespmem:$0x1FFF0] =	vst v0  }
.LBB2_3:
0x35: {  	v0 =	vld [tilespmem:$0x1FFE0];
	_ =	sdelay $0x5  }
0x36: {  	v1 =	vld [tilespmem:$0x1FFF0]  }
0x37: {  	s25 =	sshra.s32 s24, $0x2  }
0x38: {  	v3 =	vld.idx.msk [tilespmem:v0+s25+$0xFFFFFDB0 ss:$0x1], $0xffff  }
0x39: {  	v4 =	vld.idx.msk [tilespmem:v0+s25+$0xFFFFFFF0 ss:$0x1], $0xffff  }
0x3a: {  	v37 =	vld.idx.msk [tilespmem:v0+s25+$0xFFFFFDC0 ss:$0x1], $0xffff  }
0x3b: {  	v38 =	vld.idx.msk [tilespmem:v0+s25+$0x0 ss:$0x1], $0xffff;
	_ =	sdelay $0x2  }
0x3c: {  	v6 =	vld.idx.msk [tilespmem:v1+s25+$0xFFFFFDB0 ss:$0x1], $0xffff  }
0x3d: {  	v5 =	vld.idx.msk [tilespmem:v1+s25+$0xFFFFFFF0 ss:$0x1], $0xffff;
	v7 =	vadd.s32 $0x12C0, v3  }
0x3e: {  	v8 =	vadd.s32 $0x12C0, v4;
	v10 =	vld.idx.msk [tilespmem:v3+s3+$0x0], $0xffff  }
0x3f: {  	v9 =	vadd.s32 $0x2580, v3;
	v12 =	vld.idx.msk [tilespmem:v4+s3+$0x0], $0xffff  }
0x40: {  	v11 =	vadd.s32 $0x2580, v4;
	v44 =	vld.idx.msk [tilespmem:v37+s3+$0x0], $0xffff  }
0x41: {  	v13 =	vadd.s32 $0x3840, v3;
	v46 =	vld.idx.msk [tilespmem:v38+s3+$0x0], $0xffff  }
0x42: {  	v14 =	vadd.s32 $0x3840, v4;
	v7 =	vld.idx.msk [tilespmem:v7+s3+$0x0], $0xffff  }
0x43: {  	v15 =	vadd.s32 $0x4B00, v3;
	v8 =	vld.idx.msk [tilespmem:v8+s3+$0x0], $0xffff  }
0x44: {  	v16 =	vadd.s32 $0x4B00, v4;
	v9 =	vld.idx.msk [tilespmem:v9+s3+$0x0], $0xffff  }
0x45: {  	v17 =	vadd.s32 $0x5DC0, v3;
	v11 =	vld.idx.msk [tilespmem:v11+s3+$0x0], $0xffff  }
0x46: {  	v18 =	vadd.s32 $0x5DC0, v4;
	v13 =	vld.idx.msk [tilespmem:v13+s3+$0x0], $0xffff  }
0x47: {  	v19 =	vadd.s32 $0x7080, v3;
	v14 =	vld.idx.msk [tilespmem:v14+s3+$0x0], $0xffff  }
0x48: {  	v20 =	vadd.s32 $0x7080, v4;
	v15 =	vld.idx.msk [tilespmem:v15+s3+$0x0], $0xffff  }
0x49: {  	v21 =	vadd.s32 $0x8340, v3;
	v16 =	vld.idx.msk [tilespmem:v16+s3+$0x0], $0xffff  }
0x4a: {  	v22 =	vadd.s32 $0x8340, v4;
	v17 =	vld.idx.msk [tilespmem:v17+s3+$0x0], $0xffff  }
0x4b: {  	v23 =	vadd.s32 $0x9600, v3;
	v18 =	vld.idx.msk [tilespmem:v18+s3+$0x0], $0xffff  }
0x4c: {  	v24 =	vadd.s32 $0x9600, v4;
	v19 =	vld.idx.msk [tilespmem:v19+s3+$0x0], $0xffff  }
0x4d: {  	v25 =	vadd.s32 $0xA8C0, v3;
	v20 =	vld.idx.msk [tilespmem:v20+s3+$0x0], $0xffff  }
0x4e: {  	v26 =	vadd.s32 $0xA8C0, v4;
	v21 =	vld.idx.msk [tilespmem:v21+s3+$0x0], $0xffff  }
0x4f: {  	v27 =	vadd.s32 $0xBB80, v3;
	v22 =	vld.idx.msk [tilespmem:v22+s3+$0x0], $0xffff  }
0x50: {  	v28 =	vadd.s32 $0xBB80, v4;
	v23 =	vld.idx.msk [tilespmem:v23+s3+$0x0], $0xffff  }
0x51: {  	v29 =	vadd.s32 $0xCE40, v3;
	v24 =	vld.idx.msk [tilespmem:v24+s3+$0x0], $0xffff  }
0x52: {  	v30 =	vadd.s32 $0xCE40, v4;
	v25 =	vld.idx.msk [tilespmem:v25+s3+$0x0], $0xffff  }
0x53: {  	v31 =	vadd.s32 $0xE100, v3;
	v26 =	vld.idx.msk [tilespmem:v26+s3+$0x0], $0xffff  }
0x54: {  	v32 =	vadd.s32 $0xE100, v4;
	v27 =	vld.idx.msk [tilespmem:v27+s3+$0x0], $0xffff  }
0x55: {  	v33 =	vadd.s32 $0xF3C0, v3;
	v28 =	vld.idx.msk [tilespmem:v28+s3+$0x0], $0xffff  }
0x56: {  	v34 =	vadd.s32 $0xF3C0, v4;
	v29 =	vld.idx.msk [tilespmem:v29+s3+$0x0], $0xffff  }
0x57: {  	v35 =	vadd.s32 $0x10680, v3;
	v30 =	vld.idx.msk [tilespmem:v30+s3+$0x0], $0xffff  }
0x58: {  	v36 =	vadd.s32 $0x10680, v4;
	v31 =	vld.idx.msk [tilespmem:v31+s3+$0x0], $0xffff  }
0x59: {  	v41 =	vadd.s32 $0x12C0, v37;
	v32 =	vld.idx.msk [tilespmem:v32+s3+$0x0], $0xffff  }
0x5a: {  	v42 =	vadd.s32 $0x12C0, v38;
	v33 =	vld.idx.msk [tilespmem:v33+s3+$0x0], $0xffff  }
0x5b: {  	v43 =	vadd.s32 $0x2580, v37;
	v34 =	vld.idx.msk [tilespmem:v34+s3+$0x0], $0xffff  }
0x5c: {  	v45 =	vadd.s32 $0x2580, v38;
	v35 =	vld.idx.msk [tilespmem:v35+s3+$0x0], $0xffff  }
0x5d: {  	v47 =	vadd.s32 $0x3840, v37;
	v36 =	vld.idx.msk [tilespmem:v36+s3+$0x0], $0xffff  }
0x5e: {  	v48 =	vadd.s32 $0x3840, v38;
	v41 =	vld.idx.msk [tilespmem:v41+s3+$0x0], $0xffff  }
0x5f: {  	v49 =	vadd.s32 $0x4B00, v37;
	v42 =	vld.idx.msk [tilespmem:v42+s3+$0x0], $0xffff  }
0x60: {  	v50 =	vadd.s32 $0x4B00, v38;
	v43 =	vld.idx.msk [tilespmem:v43+s3+$0x0], $0xffff  }
0x61: {  	v51 =	vadd.s32 $0x5DC0, v37;
	v45 =	vld.idx.msk [tilespmem:v45+s3+$0x0], $0xffff  }
0x62: {  	v52 =	vadd.s32 $0x5DC0, v38;
	v47 =	vld.idx.msk [tilespmem:v47+s3+$0x0], $0xffff  }
0x63: {  	v53 =	vadd.s32 $0x7080, v37;
	v48 =	vld.idx.msk [tilespmem:v48+s3+$0x0], $0xffff  }
0x64: {  	v54 =	vadd.s32 $0x7080, v38;
	v49 =	vld.idx.msk [tilespmem:v49+s3+$0x0], $0xffff  }
0x65: {  	v55 =	vadd.s32 $0x8340, v37;
	v50 =	vld.idx.msk [tilespmem:v50+s3+$0x0], $0xffff  }
0x66: {  	v56 =	vadd.s32 $0x8340, v38;
	v51 =	vld.idx.msk [tilespmem:v51+s3+$0x0], $0xffff  }
0x67: {  	v58 =	vadd.s32 $0x9600, v38;
	v52 =	vld.idx.msk [tilespmem:v52+s3+$0x0], $0xffff  }
0x68: {  	v59 =	vadd.s32 $0xA8C0, v37;
	v53 =	vld.idx.msk [tilespmem:v53+s3+$0x0], $0xffff  }
0x69: {  	v3 =	vadd.s32 $0x11940, v3;
	v54 =	vld.idx.msk [tilespmem:v54+s3+$0x0], $0xffff  }
0x6a: {  	v4 =	vadd.s32 $0x11940, v4;
	v55 =	vld.idx.msk [tilespmem:v55+s3+$0x0], $0xffff  }
0x6b: {  	v56 =	vld.idx.msk [tilespmem:v56+s3+$0x0], $0xffff  }
0x6c: {  	v58 =	vld.idx.msk [tilespmem:v58+s3+$0x0], $0xffff  }
0x6d: {  	v57 =	vadd.s32 $0x9600, v37;
	v60 =	vadd.s32 $0xA8C0, v38;
	v59 =	vld.idx.msk [tilespmem:v59+s3+$0x0], $0xffff;
	v10 =	vmul.f32 v10, v6  }
0x6e: {  	v61 =	vadd.s32 $0xBB80, v37;
	v39 =	vld.idx.msk [tilespmem:v3+s3+$0x0], $0xffff;
	v12 =	vmul.f32 v12, v5;
	v7 =	vmul.f32 v7, v6  }
0x6f: {  	v62 =	vadd.s32 $0xCE40, v37;
	v40 =	vld.idx.msk [tilespmem:v4+s3+$0x0], $0xffff;
	v8 =	vmul.f32 v8, v5;
	v9 =	vmul.f32 v9, v6  }
0x70: {  	v0 =	vadd.s32 $0xE100, v37;
	v3 =	vld.idx.msk [tilespmem:v1+s25+$0xFFFFFDC0 ss:$0x1], $0xffff;
	v11 =	vmul.f32 v11, v5;
	v13 =	vmul.f32 v13, v6  }
0x71: {  	v4 =	vld.idx.msk [tilespmem:v1+s25+$0x0 ss:$0x1], $0xffff;
	v1 =	vadd.s32 $0xE100, v38;
	v14 =	vmul.f32 v14, v5;
	v15 =	vmul.f32 v15, v6  }
0x72: {  	v60 =	vld.idx.msk [tilespmem:v60+s3+$0x0], $0xffff;
	v10 =	vadd.f32 v12, v10;
	v16 =	vmul.f32 v16, v5;
	v17 =	vmul.f32 v17, v6  }
0x73: {  	v12 =	vld.idx.msk [tilespmem:v57+s3+$0x0], $0xffff;
	v57 =	vadd.s32 $0xBB80, v38;
	v18 =	vmul.f32 v18, v5;
	v19 =	vmul.f32 v19, v6  }
0x74: {  	v63 =	vadd.s32 $0xCE40, v38;
	v61 =	vld.idx.msk [tilespmem:v61+s3+$0x0], $0xffff;
	v20 =	vmul.f32 v20, v5;
	v21 =	vmul.f32 v21, v6  }
0x75: {  	v0 =	vld.idx.msk [tilespmem:v0+s3+$0x0], $0xffff;
	v7 =	vadd.f32 v8, v7;
	v8 =	vadd.f32 v11, v9;
	v11 =	vadd.s32 $0xF3C0, v37  }
0x76: {  	v13 =	vadd.f32 v14, v13;
	v14 =	vadd.f32 v16, v15;
	v15 =	vld.idx.msk [tilespmem:v62+s3+$0x0], $0xffff;
	v16 =	vadd.s32 $0xF3C0, v38  }
0x77: {  	v22 =	vmul.f32 v22, v5;
	v23 =	vmul.f32 v23, v6;
	v62 =	vadd.s32 $0x10680, v37;
	v1 =	vld.idx.msk [tilespmem:v1+s3+$0x0], $0xffff  }
0x78: {  	v24 =	vmul.f32 v24, v5;
	v37 =	vadd.s32 $0x11940, v37;
	v17 =	vadd.f32 v18, v17;
	v9 =	vld.idx.msk [tilespmem:v57+s3+$0x0], $0xffff  }
0x79: {  	v18 =	vmul.f32 v25, v6;
	v25 =	vmul.f32 v26, v5;
	v57 =	vld.idx.msk [tilespmem:v63+s3+$0x0], $0xffff;
	v63 =	vadd.s32 $0x10680, v38  }
0x7a: {  	v19 =	vadd.f32 v20, v19;
	v20 =	vmul.f32 v27, v6;
	v38 =	vadd.s32 $0x11940, v38;
	v11 =	vld.idx.msk [tilespmem:v11+s3+$0x0], $0xffff  }
0x7b: {  	v26 =	vmul.f32 v28, v5;
	v21 =	vadd.f32 v22, v21;
	v22 =	vmul.f32 v29, v6;
	v16 =	vld.idx.msk [tilespmem:v16+s3+$0x0], $0xffff  }
0x7c: {  	v28 =	vmul.f32 v30, v5;
	v23 =	vadd.f32 v24, v23;
	v24 =	vmul.f32 v31, v6;
	v27 =	vld.idx.msk [tilespmem:v62+s3+$0x0], $0xffff  }
0x7d: {  	v30 =	vmul.f32 v42, v4;
	v42 =	vmul.f32 v52, v4;
	v31 =	vld.idx.msk [tilespmem:v37+s3+$0x0], $0xffff  }
0x7e: {  	v52 =	vmul.f32 v59, v3;
	v0 =	vmul.f32 v0, v3;
	v29 =	vld.idx.msk [tilespmem:v63+s3+$0x0], $0xffff  }
0x7f: {  	v18 =	vadd.f32 v25, v18;
	v63 =	vmul.f32 v33, v6;
	v33 =	vld.idx.msk [tilespmem:v38+s3+$0x0], $0xffff;
	[tilespmem:v2+s25+$0x0 ss:$0x1] =	vst.idx.msk $0xffff, v10  }
0x80: {  	v20 =	vadd.f32 v26, v20;
	v22 =	vadd.f32 v28, v22;
	[tilespmem:v2+s25+$0x240 ss:$0x1] =	vst.idx.msk $0xffff, v7  }
0x81: {  	v28 =	vmul.f32 v41, v3;
	v41 =	vmul.f32 v51, v3;
	[tilespmem:v2+s25+$0x480 ss:$0x1] =	vst.idx.msk $0xffff, v8  }
0x82: {  	v51 =	vmul.f32 v58, v4;
	v62 =	vmul.f32 v32, v5;
	[tilespmem:v2+s25+$0x6C0 ss:$0x1] =	vst.idx.msk $0xffff, v13  }
0x83: {  	v37 =	vmul.f32 v34, v5;
	v34 =	vadd.f32 v30, v28;
	[tilespmem:v2+s25+$0x900 ss:$0x1] =	vst.idx.msk $0xffff, v14  }
0x84: {  	v1 =	vmul.f32 v1, v4;
	v10 =	vadd.f32 v62, v24;
	[tilespmem:v2+s25+$0xB40 ss:$0x1] =	vst.idx.msk $0xffff, v17  }
0x85: {  	v38 =	vmul.f32 v35, v6;
	v6 =	vmul.f32 v39, v6;
	[tilespmem:v2+s25+$0xD80 ss:$0x1] =	vst.idx.msk $0xffff, v19  }
0x86: {  	v39 =	vmul.f32 v36, v5;
	v5 =	vmul.f32 v40, v5;
	[tilespmem:v2+s25+$0xFC0 ss:$0x1] =	vst.idx.msk $0xffff, v21  }
0x87: {  	v62 =	vmul.f32 v44, v3;
	v35 =	vmul.f32 v43, v3;
	[tilespmem:v2+s25+$0x1200 ss:$0x1] =	vst.idx.msk $0xffff, v23  }
0x88: {  	v36 =	vmul.f32 v45, v4;
	v40 =	vmul.f32 v50, v4;
	[tilespmem:v2+s25+$0x1440 ss:$0x1] =	vst.idx.msk $0xffff, v18  }
0x89: {  	v45 =	vadd.f32 v42, v41;
	v50 =	vmul.f32 v12, v3;
	[tilespmem:v2+s25+$0x1680 ss:$0x1] =	vst.idx.msk $0xffff, v20  }
0x8a: {  	v9 =	vmul.f32 v9, v4;
	v24 =	vadd.f32 v37, v63;
	[tilespmem:v2+s25+$0x18C0 ss:$0x1] =	vst.idx.msk $0xffff, v22  }
0x8b: {  	v63 =	vmul.f32 v46, v4;
	v7 =	vadd.f32 v39, v38;
	[tilespmem:v2+s25+$0x1B00 ss:$0x1] =	vst.idx.msk $0xffff, v10  }
0x8c: {  	v57 =	vmul.f32 v57, v4;
	v5 =	vadd.f32 v5, v6;
	[tilespmem:v2+s25+$0x1D40 ss:$0x1] =	vst.idx.msk $0xffff, v24  }
0x8d: {  	v37 =	vmul.f32 v47, v3;
	v32 =	vadd.f32 v63, v62;
	[tilespmem:v2+s25+$0x1F80 ss:$0x1] =	vst.idx.msk $0xffff, v7  }
0x8e: {  	v38 =	vmul.f32 v48, v4;
	v39 =	vmul.f32 v49, v3;
	[tilespmem:v2+s25+$0x21C0 ss:$0x1] =	vst.idx.msk $0xffff, v5  }
0x8f: {  	v13 =	vadd.f32 v36, v35;
	v46 =	vmul.f32 v53, v3;
	[tilespmem:v2+s25+$0x10 ss:$0x1] =	vst.idx.msk $0xffff, v32  }
0x90: {  	v47 =	vmul.f32 v54, v4;
	v43 =	vadd.f32 v38, v37;
	[tilespmem:v2+s25+$0x250 ss:$0x1] =	vst.idx.msk $0xffff, v34  }
0x91: {  	v48 =	vmul.f32 v55, v3;
	v44 =	vadd.f32 v40, v39;
	[tilespmem:v2+s25+$0x490 ss:$0x1] =	vst.idx.msk $0xffff, v13  }
0x92: {  	v49 =	vmul.f32 v56, v4;
	v53 =	vmul.f32 v60, v4;
	[tilespmem:v2+s25+$0x6D0 ss:$0x1] =	vst.idx.msk $0xffff, v43  }
0x93: {  	v55 =	vmul.f32 v61, v3;
	v54 =	vadd.f32 v47, v46;
	[tilespmem:v2+s25+$0x910 ss:$0x1] =	vst.idx.msk $0xffff, v44  }
0x94: {  	v56 =	vmul.f32 v15, v3;
	v7 =	vadd.f32 v49, v48;
	[tilespmem:v2+s25+$0xB50 ss:$0x1] =	vst.idx.msk $0xffff, v45  }
0x95: {  	v58 =	vmul.f32 v11, v3;
	v5 =	vadd.f32 v51, v50;
	[tilespmem:v2+s25+$0xD90 ss:$0x1] =	vst.idx.msk $0xffff, v54  }
0x96: {  	v59 =	vmul.f32 v16, v4;
	v6 =	vadd.f32 v53, v52;
	[tilespmem:v2+s25+$0xFD0 ss:$0x1] =	vst.idx.msk $0xffff, v7  }
0x97: {  	v0 =	vadd.f32 v1, v0;
	v60 =	vadd.f32 v9, v55;
	[tilespmem:v2+s25+$0x1210 ss:$0x1] =	vst.idx.msk $0xffff, v5  }
0x98: {  	v61 =	vadd.f32 v57, v56;
	v1 =	vadd.f32 v59, v58;
	[tilespmem:v2+s25+$0x1450 ss:$0x1] =	vst.idx.msk $0xffff, v6  }
0x99: {  	p1 =	sne.s32 s24, $0x880;
	v62 =	vmul.f32 v27, v3;
	v63 =	vmul.f32 v29, v4;
	[tilespmem:v2+s25+$0x1690 ss:$0x1] =	vst.idx.msk $0xffff, v60  }
.Ltmp0:
0x9a: {  	v3 =	vmul.f32 v31, v3;
	v4 =	vmul.f32 v33, v4;
	[tilespmem:v2+s25+$0x18D0 ss:$0x1] =	vst.idx.msk $0xffff, v61;
	(pc) =	sbr.rel @p1 .LBB2_3-.Ltmp0, $4  }
0x9b: {  	v5 =	vadd.f32 v63, v62;
	[tilespmem:v2+s25+$0x1B10 ss:$0x1] =	vst.idx.msk $0xffff, v0  }
0x9c: {  	v0 =	vadd.f32 v4, v3;
	[tilespmem:v2+s25+$0x1D50 ss:$0x1] =	vst.idx.msk $0xffff, v1  }
0x9d: {  	[tilespmem:v2+s25+$0x1F90 ss:$0x1] =	vst.idx.msk $0xffff, v5  }
0x9e: {  	s24 =	sadd.s32 $0x80, s24;
	[tilespmem:v2+s25+$0x21D0 ss:$0x1] =	vst.idx.msk $0xffff, v0  }
0x9f: {  	p1 =	sne.s32 s21, $0xE1  }
.Ltmp1:
0xa0: {  	s23 =	sadd.s32 s9, s23;
	(pc) =	sbr.rel @p1 .LBB2_2-.Ltmp1, $4  }
0xa1: {  	s23 =	sshrl.u32 s23, $0x3  }
0xa2: {  	s23 =	sadd.s32 s2, s23  }
0xa3: {  	[hbm4b:s23+s18] =	stream.strided.scatter [tilespmem:s22], [sflag:$0x2], $0x2400, s19, s18, $0x38;
	[tilespmem:$0x18600] =	vst v63  }
0xa4: {  	p0 =	por !p0, !p0;
	s22 =	smov.u32 s21  }
0xa5: {  	s20 =	sadd.s32 $0x1, s20  }
0xa6: {  	_ =	swait.ge [sflag:s17], $0x2400;
	p0 =	sne.s32 s20, s10  }
.Ltmp2:
0xa7: {  	[sflag:s17] =	ssyncset.done $0x0;
	(pc) =	sbr.rel @p0 .LBB2_1-.Ltmp2, $4  }
0xa8: {  	[sflag:s17] =	ssyncadd.s32 $0xFFFFDC00  }
0xa9: {  	_ =	swait.ge [sflag:s17], $0x2400  }
0xaa: {  	[sflag:s17] =	ssyncset.done $0x0  }
0xab: {  	[sflag:s17] =	ssyncadd.s32 $0xFFFFDC00  }
0xac: {  	_ =	sfence.sel $0x180000  }
0xad: {  	[bflag:$0x0] =	sbarrier.arrive $0xFFFF  }
0xae: {  	p0 =	sne.s32 s0, $0x0;
	_ =	strace $0x90000047  }
0xaf: {  	s0 =	sadd.s32 @!p0 $0x100000, s1;
	[bflag:$0x2] =	sbarrier.arrive $0xFFFF  }
0xb0: {  	[sflag:s0] =	ssyncadd.tile.s32 @!p0 $0x1;
	_ =	shalt  }
.Lfunc_end2:
_tile_overlayer_lowered:
.L_overlay_start_2:
0xb1: {  	(tag) =	ssettag $0x2  }
0xb2: {  	s0 =	rddreg [dreg:$0x0];
	s2 =	stileid.u32  }
0xb3: {  	s1 =	rddreg [dreg:$0x1];
	p0 =	sne.s32 s2, $0x0  }
0xb4: {  	s3 =	rddreg [dreg:$0x2];
	[bflag:$0x3] =	sbarrier.arrive $0xFFFF;
	s2 =	simm.s32 @!p0 $0x1C03  }
0xb5: {  	[timem:s3], [sflag:s2] =	dma.local @!p0 [hbm:s0], s1  }
0xb6: {  	s0 =	simm.s32 @!p0 $0x3  }
0xb7: {  	_ =	swait.ge @!p0 [sflag:s0], s1  }
0xb8: {  	s1 =	ssub.s32 @!p0 $0x0, s1;
	[sflag:s0] =	ssyncset.done @!p0 $0x0  }
0xb9: {  	[sflag:s0] =	ssyncadd.s32 @!p0 s1  }
0xba: {  	[bflag:$0x3] =	sbarrier.arrive $0xFFFF  }
0xbb: {  	_ =	shalt  }

// kernel: sparse-core-data-format-call.cloned.1.call-start
scs
called_computation_lowered:
.L_overlay_start_0:
0x0: {  	s2 =	sld [smem:$0x3FD9]  }
0x1: {  	s3 =	sld [smem:$0x3FFE];
	_ =	sdelay $0x1  }
0x2: {  	s1 =	srdreg.scid  }
0x3: {  	s0 =	sand.u32 $0x1, s1  }
0x4: {  	s18 =	sshll.u32 s0, $0xA;
	s2 =	sadd.s32 s3, s2  }
0x5: {  	s2 =	sadd.s32 s2, s18  }
0x6: {  	[smem:$0x3FC3] =	sst s2  }
0x7: {  	_ = 	snop  }
0x8: {  	s2 =	sld [smem:$0x3FD0];
	(tm) =	ssettm $0x1  }
0x9: {  	s19 =	sld [smem:$0x3FFB];
	_ =	sdelay $0x3  }
0xa: {  	_ =	strace s19  }
0xb: {  	s3 =	sld [smem:$0x3FFC];
	_ =	sdelay $0x3  }
0xc: {  	_ =	strace s3  }
0xd: {  	s3 =	sld [smem:$0x3FFD];
	_ =	sdelay $0x3  }
0xe: {  	_ =	strace s3  }
0xf: {  	_ =	strace $0x8FFFFFFF  }
0x10: {  	s20 =	sld [smem:$0x3FDB];
	_ =	sdelay $0x1  }
0x11: {  	s4 =	simm.s32 $_scs_section_size  }
0x12: {  	s5 =	simm.s32 $_size__tile_overlayer_lowered;
	s6 =	simm.s32 $_tile_overlayer_lowered  }
0x13: {  	s23 =	simm.s32 $0x1BFF;
	s22 =	sshll.u32 s6, $0x1;
	s3 =	sadd.s32 s4, s20  }
0x14: {  	s7 =	simm.s32 $0x0;
	s21 =	sshll.u32 s5, $0x1;
	s5 =	sadd.s32 s22, s3  }
0x15: {  	[timem:s7], [sflag:s23] =	dma.local [hbm:s5], s21  }
0x16: {  	_ =	swait.ge [sflag:s23], s21  }
0x17: {  	s4 =	ssub.s32 $0x0, s21;
	[sflag:s23] =	ssyncset.done $0x0  }
0x18: {  	[sflag:s23] =	ssyncadd.s32 s4;
	_ =	sdelay $0x1  }
0x19: {  	s24 =	simm.s32 $0x1B8B  }
0x1a: {  	_ =	swait.ge [sflag:s24], $0x1  }
0x1b: {  	[sflag:s24] =	ssyncset.done $0x0  }
0x1c: {  	s26 =	simm.s32 $0x1B8E;
	s25 =	sld [smem:$0x3FFE];
	[sflag:s24] =	ssyncadd.s32 $0xFFFFFFFF  }
0x1d: {  	s27 =	simm.s32 $execute0_lowered;
	[smem:$0x3FD2] =	sst s26  }
0x1e: {  	s5 =	sshll.u32 s27, $0x1;
	_ =	strace $0x80000049;
	[dreg:$0x1] =	wrdreg $0xFFFFFFFF  }
0x1f: {  	s28 =	simm.s32 $_size_execute0_lowered;
	s3 =	sadd.s32 s3, s5;
	[dreg:$0x0] =	wrdreg $0x0  }
0x20: {  	s5 =	sshll.u32 s28, $0x1;
	[dreg:$0x2] =	wrdreg s3  }
0x21: {  	[dreg:$0x3] =	wrdreg s5  }
0x22: {  	[dreg:$0x4] =	wrdreg $0xC0  }
0x23: {  	_ =	task [dreg:s7], $0x5FFFF  }
0x24: {  	[dreg:$0x1] =	wrdreg $0xFFFFFFFF  }
0x25: {  	[dreg:$0x0] =	wrdreg $0x60  }
0x26: {  	[dreg:$0x2] =	wrdreg s25  }
0x27: {  	[dreg:$0x3] =	wrdreg s2  }
0x28: {  	[dreg:$0x4] =	wrdreg $0x9  }
0x29: {  	_ =	task.clear_ibuf [dreg:s7], $0x5FFFF;
	_ =	strace $0x90000049  }
0x2a: {  	s29 =	simm.s32 $0x9;
	_ =	strace $0x8000004B  }
0x2b: {  	_ =	swait.ge [sflag:s29], $0x1  }
0x2c: {  	[sflag:s29] =	ssyncadd.s32 $0xFFFFFFFF  }
0x2d: {  	_ =	strace $0x9000004B  }
0x2e: {  	_ =	sfence  }
0x2f: {  	s30 =	sld [smem:$0x0];
	_ =	sdelay $0x2  }
0x30: {  	s31 =	sshll.u32 s1, $0xD;
	s1 =	sshrl.u32 s1, $0x2  }
0x31: {  	s3 =	sand.u32 $0x4000, s31;
	s1 =	sadd.s32 s1, s30  }
0x32: {  	s0 =	sor.u32 s3, s0;
	s1 =	sshll.u32 s1, $0x11  }
0x33: {  	s0 =	sor.u32 s1, s0  }
0x34: {  	s0 =	sadd.s32 $0x8F2B, s0  }
0x35: {  	[sflag:s0] =	ssyncadd.remote.s32 $0x1  }
0x36: {  	_ =	sfence.sel $0xFFFF  }
0x37: {  	[dreg:$0x0] =	wrdreg $0xFFFFFFFF;
	(pc) =	sbr.abs _section_cstart, $3  }
0x38: {  	[dreg:$0x1] =	wrdreg $0xFFFFFFFF  }
0x39: {  	_ =	task.clear_ibuf [dreg:s7], $0x2FFFF;
	_ =	strace $0x9FFFFFFF  }
0x3a: {  	(tm) =	ssettm $0x7FFFFFFF  }
0x3b: {  	_ =	shalt  }
tec
execute0_lowered:
.L_overlay_start_1:
0x0: {  	(tag) =	ssettag $0x1  }
0x1: {  	s0 =	stileid.u32  }
0x2: {  	s1 =	srdreg.scid;
	s7 =	rddreg [dreg:$0x0]  }
0x3: {  	s8 =	simm.s32 $0x2;
	s17 =	simm.s32 $0x0;
	s2 =	sshll.u32 s0, $0x7  }
0x4: {  	s9 =	simm.s32 $0x200;
	s3 =	sshll.u32 s1, $0x4;
	s1 =	sand.u32 $0x180, s2  }
0x5: {  	s19 =	simm.s32 $0x0;
	s30 =	sand.u32 $0x10, s3;
	s31 =	ssub.s32 $0x200, s1  }
0x6: {  	s18 =	simm.s32 $0x0;
	s2 =	sor.u32 s0, s30;
	s4 =	sand.u32 $0x180, s31  }
0x7: {  	s2 =	sshrl.u32 s2, $0x2;
	p0 =	sne.s32 s4, $0x0;
	s4 =	simm.s32 $0x1  }
0x8: {  	s3 =	sshrl.u32 s31, $0x9;
	s5 =	ssub.s32 $0x43, s2;
	s4 =	simm.s32 @!p0 $0x0  }
0x9: {  	s10 =	simm.s32 $0x0;
	s5 =	sshrl.u32 s5, $0x3;
	s3 =	sadd.s32 s4, s3  }
0xa: {  	s11 =	simm.s32 $0x0;
	s12 =	simm.s32 $0x0;
	s6 =	smul.u32 s3, s5  }
.Ltmp0:
0xb: {  	s13 =	simm.s32 $0x0;
	s4 =	rddreg [dreg:$0x1];
	(pc) =	sbr.rel .LBB1_1-.Ltmp0, $4  }
0xc: {  	s16 =	simm.s32 $0x0;
	s7 =	sadd.s32 $0xA00, s7;
	s3 =	rddreg [dreg:$0x2]  }
0xd: {  	_ =	strace $0x8000004A;
	s5 =	simm.s32 $0x1;
	s6 =	smul.u32 $0x24, s6  }
0xe: {  	s15 =	smov.u32 s1;
	s14 =	smov.u32 s2;
	[sflag:s5] =	ssyncpa.u1 $0x0  }
0xf: {  	p0 =	por $0x0, $0x0;
	[sflag:s8] =	ssyncpa.u1 $0x0;
	s8 =	sor.u32 $0x1, s6  }
.LBB1_4:
0x10: {  	p1 =	sgt.s32 s11, $0x3B;
	s22 =	smov.u32 s11;
	s23 =	sshra.s32 s11, $0x1F  }
0x11: {  	s24 =	sshra.s32 s12, $0x1F;
	p2 =	sgt.s32 s10, $0x23;
	s28 =	sshra.s32 s10, $0x1F  }
0x12: {  	s30 =	smul.u32 $0x21C00, s11;
	s22 =	simm.s32 @!p1 $0x3B;
	s23 =	sand.u32 s23, s11  }
0x13: {  	p1 =	sgt.s32 s12, $0x180;
	s22 =	ssub.s32 s22, s23;
	s23 =	smov.u32 s12  }
0x14: {  	s24 =	sand.u32 s24, s12;
	s25 =	sadd.s32 $0xFFFFFFC5, s22;
	s23 =	simm.s32 @!p1 $0x180  }
0x15: {  	s31 =	smul.u32 $0xF00, s10;
	p1 =	sgt.s32 s25, $0x0;
	s23 =	ssub.s32 s23, s24  }
0x16: {  	s25 =	smov.u32 s10;
	s24 =	sand.u32 s28, s10;
	s26 =	ssub.s32 $0x200, s23  }
0x17: {  	s25 =	simm.s32 @!p2 $0x23;
	s23 =	sadd.s32 $0xFFFFFE80, s23;
	s26 =	smul.u32 $0x3C, s26  }
0x18: {  	s22 =	ssub.s32 $0x3C, s22;
	s24 =	ssub.s32 s25, s24;
	p2 =	sgt.s32 s23, $0x7F  }
0x19: {  	s22 =	simm.s32 @p1 $0x0;
	s29 =	sadd.s32 $0xFFFFFFDD, s24;
	s26 =	simm.s32 @p2 $0x0  }
0x1a: {  	s23 =	ssub.s32 $0x24, s24;
	p1 =	sgt.s32 s29, $0x0;
	s22 =	smul.u32 s22, s26  }
0x1b: {  	s27 =	sand.u32 $0x7, s12;
	s23 =	simm.s32 @p1 $0x0;
	s26 =	sshrl.u32 s12, $0x3  }
0x1c: {  	[tilespmem:s21+$0x810 ss:$0x81] =	vst.msk $0xffff, v2;
	s25 =	sand.u32 $0x3F, s26;
	s22 =	smul.u32 s23, s22;
	s23 =	sadd.s32 s4, s30  }
0x1d: {  	[tilespmem:s21+$0x1020 ss:$0x81] =	vst.msk $0xffff, v0;
	s28 =	sshll.u32 s27, $0x12;
	s23 =	sadd.s32 s25, s23  }
0x1e: {  	[tilespmem:s21+$0x0 ss:$0x81] =	vst.msk $0xffff, v1;
	s29 =	sand.u32 $0x3FFFFFFC, s22;
	s30 =	sadd.s32 s31, s23;
	s31 =	sor.u32 $0x80, s28  }
0x1f: {  	[hbm4b:s30+s31] =	stream.strided.scatter [tilespmem:s20], [sflag:$0x2], s29, s9, s31, $0x20;
	[tilespmem:$0x8080] =	vst v63  }
.LBB1_5:
0x20: {  	p1 =	slt.u32 s16, $0x2  }
0x21: {  	p2 =	sgt.s32 @!p1 s19, $0x3B  }
0x22: {  	s20 =	smov.u32 s19;
	s21 =	sshra.s32 @!p1 s19, $0x1F;
	p2 =	por !p2, p1  }
0x23: {  	s19 =	sand.u32 @!p1 s21, s19;
	s20 =	simm.s32 @p2 $0x3B  }
0x24: {  	s21 =	sshra.s32 @!p1 s18, $0x1F;
	p2 =	sgt.s32 @!p1 s18, $0x180;
	s19 =	ssub.s32 @!p1 s20, s19  }
0x25: {  	p2 =	por !p2, p1;
	s20 =	sadd.s32 @!p1 $0xFFFFFFC5, s19;
	s19 =	ssub.s32 @!p1 $0x3C, s19  }
0x26: {  	p3 =	sgt.s32 @!p1 s20, $0x0;
	s20 =	smov.u32 s18;
	s18 =	sand.u32 @!p1 s21, s18  }
0x27: {  	s21 =	smov.u32 s17;
	s20 =	simm.s32 @p2 $0x180;
	p2 =	sgt.s32 @!p1 s17, $0x23  }
0x28: {  	p3 =	por !p3, p1;
	p2 =	por !p2, p1;
	s18 =	ssub.s32 @!p1 s20, s18  }
0x29: {  	s20 =	sshra.s32 @!p1 s17, $0x1F;
	s19 =	simm.s32 @!p3 $0x0;
	s21 =	simm.s32 @p2 $0x23  }
0x2a: {  	s17 =	sand.u32 @!p1 s20, s17;
	s20 =	sadd.s32 @!p1 $0xFFFFFE80, s18;
	s18 =	ssub.s32 @!p1 $0x200, s18  }
0x2b: {  	s17 =	ssub.s32 @!p1 s21, s17;
	p2 =	sgt.s32 @!p1 s20, $0x7F;
	s18 =	smul.u32 @!p1 $0x3C, s18  }
0x2c: {  	s21 =	smov.u32 s14;
	s20 =	sadd.s32 @!p1 $0xFFFFFFDD, s17;
	p2 =	por !p2, p1  }
0x2d: {  	s17 =	ssub.s32 @!p1 $0x24, s17;
	p3 =	sgt.s32 @!p1 s20, $0x0;
	s18 =	simm.s32 @!p2 $0x0  }
0x2e: {  	s20 =	sadd.s32 $0x1, s13;
	p2 =	por !p3, p1;
	s18 =	smul.u32 @!p1 s19, s18  }
0x2f: {  	s19 =	sadd.s32 $0x8, s14;
	s17 =	simm.s32 @!p2 $0x0;
	p2 =	sgt.s32 s20, $0x23  }
0x30: {  	s22 =	smov.u32 s15;
	s21 =	smov.u32 @p2 s19  }
0x31: {  	s17 =	smul.u32 @!p1 s17, s18;
	s18 =	sadd.s32 $0x200, s15;
	p3 =	sgt.s32 s21, $0x3B  }
0x32: {  	p0 =	por !p0, !p0;
	s23 =	simm.s32 @!p1 $0x2;
	s22 =	smov.u32 @p3 s18  }
0x33: {  	s20 =	simm.s32 @p2 $0x0;
	s19 =	smov.u32 s11;
	p2 =	sgt.s32 s22, $0x1FF  }
0x34: {  	s11 =	smov.u32 s14;
	s22 =	smov.u32 @p2 s1;
	p2 =	sne.s32 s16, s8  }
.Ltmp1:
0x35: {  	s17 =	sand.u32 @!p1 $0x3FFFFFFC, s17;
	s21 =	smov.u32 @p3 s2;
	(pc) =	sbr.rel @!p2 .LBB1_6-.Ltmp1, $4  }
0x36: {  	s18 =	smov.u32 s12;
	s12 =	smov.u32 s15;
	_ =	swait.ge @!p1 [sflag:s23], s17  }
0x37: {  	s24 =	ssub.s32 @!p1 $0x0, s17;
	s17 =	smov.u32 s10;
	s10 =	smov.u32 s13  }
0x38: {  	s13 =	smov.u32 s20;
	s14 =	smov.u32 s21;
	[sflag:s23] =	ssyncset.done @!p1 $0x0  }
0x39: {  	s16 =	sadd.s32 $0x1, s16;
	[sflag:s23] =	ssyncadd.s32 @!p1 s24;
	s15 =	smov.u32 s22  }
.LBB1_1:
0x3a: {  	p1 =	sge.u32 s16, s6  }
0x3b: {  	s20 =	sand.u32 @!p1 $0x1FFFFFF, s13;
	s22 =	smul.u32 @!p1 $0x9600, s15  }
0x3c: {  	s21 =	smulhi.u32 @!p1 $0x6666667, s20  }
0x3d: {  	s24 =	smul.u32 @!p1 $0x280, s14  }
0x3e: {  	s21 =	smul.u32 @!p1 $0x28, s21  }
0x3f: {  	s31 =	sadd.s32 $0xFFFFFFFF, s16;
	s22 =	sadd.s32 @!p1 s7, s22  }
0x40: {  	s23 =	sxor.u32 @!p1 $0xFFFFFFFF, s16;
	s22 =	sadd.s32 @!p1 s24, s22;
	s20 =	ssub.s32 @!p1 s20, s21  }
0x41: {  	s21 =	sshll.u32 @!p1 s23, $0xD;
	s23 =	simm.s32 @!p1 $0x4B000;
	s20 =	sshll.u32 @!p1 s20, $0x4  }
0x42: {  	s21 =	sand.u32 @!p1 $0x2000, s21;
	s20 =	sadd.s32 @!p1 s20, s22;
	s22 =	simm.s32 @!p1 $0x40  }
0x43: {  	[tilespmem:s21], [sflag:$0x1] =	stream.strided.gather @!p1 [hbm4b:s20+s22], $0x2000, s23, s22, $0x38;
	[tilespmem:$0x8080] =	vst v63  }
0x44: {  	p1 =	sge.u32 s31, s6  }
.Ltmp2:
0x45: {  	_ = 	snop;
	(pc) =	sbr.rel @p1 .LBB1_5-.Ltmp2, $1  }
0x46: {  	_ =	sdelay $0x3  }
0x47: {  	s20 =	simm.s32 $0x1  }
0x48: {  	_ =	swait.ge [sflag:s5], $0x2000;
	s20 =	simm.s32 @!p0 $0x0  }
0x49: {  	[sflag:s5] =	ssyncset.done $0x0;
	s21 =	sshll.u32 s20, $0xD  }
0x4a: {  	[sflag:s5] =	ssyncadd.s32 $0xFFFFE000;
	s24 =	sor.u32 $0x20, s21  }
0x4b: {  	s20 =	smul.u32 $0x8100, s20;
	v3 =	vld [tilespmem:s24+$0x10]  }
0x4c: {  	s30 =	sand.u32 $0x1, s16;
	v2 =	vld [tilespmem:s24+$0xFFFFFFF0]  }
0x4d: {  	s21 =	smul.u32 $0x8100, s30;
	s20 =	sshrl.u32 s20, $0x2;
	v0 =	vld [tilespmem:s24+$0x0]  }
0x4e: {  	v1 =	vld [tilespmem:s24+$0xFFFFFFE0];
	s22 =	sor.u32 $0x4000, s20  }
0x4f: {  	s31 =	sshrl.u32 s21, $0x2;
	s21 =	sadd.s32 $0x0, s22  }
0x50: {  	s23 =	simm.s32 $0x4;
	s24 =	sadd.s32 $0x40, s24;
	s20 =	sor.u32 $0x4000, s31;
	[tilespmem:s21+$0x1830 ss:$0x81] =	vst.msk $0xffff, v3  }
.LBB1_3:
0x51: {  	v3 =	vld [tilespmem:s24+$0x10];
	p1 =	sne.s32 s23, $0x1FC;
	[tilespmem:s21+$0x810 ss:$0x81] =	vst.msk $0xffff, v2;
	s25 =	smov.u32 s23;
	s23 =	sadd.s32 $0x4, s23  }
.Ltmp3:
0x52: {  	v2 =	vld [tilespmem:s24+$0xFFFFFFF0];
	[tilespmem:s21+$0x1020 ss:$0x81] =	vst.msk $0xffff, v0;
	(pc) =	sbr.rel @p1 .LBB1_3-.Ltmp3, $4  }
0x53: {  	v0 =	vld [tilespmem:s24+$0x0];
	[tilespmem:s21+$0x0 ss:$0x81] =	vst.msk $0xffff, v1  }
0x54: {  	s21 =	sshra.s32 s25, $0x2;
	v1 =	vld [tilespmem:s24+$0xFFFFFFE0]  }
0x55: {  	s21 =	sadd.s32 s21, s22  }
0x56: {  	s24 =	sadd.s32 $0x40, s24;
	[tilespmem:s21+$0x1830 ss:$0x81] =	vst.msk $0xffff, v3  }
.Ltmp4:
0x57: {  	_ = 	snop;
	(pc) =	sbr.rel .LBB1_4-.Ltmp4, $1  }
0x58: {  	_ =	sdelay $0x3  }
.LBB1_6:
0x59: {  	_ =	sfence.sel $0x180000  }
0x5a: {  	s1 =	simm.s32 $0x1;
	[bflag:$0x0] =	sbarrier.arrive $0xFFFF  }
0x5b: {  	s31 =	simm.s32 $0x2;
	[sflag:s1] =	ssyncpa.u1 $0x1  }
0x5c: {  	[sflag:s31] =	ssyncpa.u1 $0x1  }
0x5d: {  	p0 =	sne.s32 s0, $0x0;
	_ =	strace $0x9000004A  }
0x5e: {  	s0 =	sadd.s32 @!p0 $0x100000, s3;
	[bflag:$0x2] =	sbarrier.arrive $0xFFFF  }
0x5f: {  	[sflag:s0] =	ssyncadd.tile.s32 @!p0 $0x1;
	_ =	shalt  }
.Lfunc_end1:
_tile_overlayer_lowered:
.L_overlay_start_2:
0x60: {  	(tag) =	ssettag $0x2  }
0x61: {  	s0 =	rddreg [dreg:$0x0];
	s2 =	stileid.u32  }
0x62: {  	s1 =	rddreg [dreg:$0x1];
	p0 =	sne.s32 s2, $0x0  }
0x63: {  	s3 =	rddreg [dreg:$0x2];
	[bflag:$0x3] =	sbarrier.arrive $0xFFFF;
	s2 =	simm.s32 @!p0 $0x1C01  }
0x64: {  	[timem:s3], [sflag:s2] =	dma.local @!p0 [hbm:s0], s1  }
0x65: {  	s0 =	simm.s32 @!p0 $0x1  }
0x66: {  	_ =	swait.ge @!p0 [sflag:s0], s1  }
0x67: {  	s1 =	ssub.s32 @!p0 $0x0, s1;
	[sflag:s0] =	ssyncset.done @!p0 $0x0  }
0x68: {  	[sflag:s0] =	ssyncadd.s32 @!p0 s1  }
0x69: {  	[bflag:$0x3] =	sbarrier.arrive $0xFFFF  }
0x6a: {  	_ =	shalt  }

</sc_bundles>
